<compile_context>
chip_gen: v7x
topology: tpu7x:2x2x1
jax: 0.10.2.dev20260603
libtpu: 0.0.44.dev20260713+nightly
codegen_flags: <defaults>
</compile_context>

<pallas_src>
import functools

import jax
import jax.numpy as jnp
from jax import lax
from jax.experimental import pallas as pl
from jax.experimental.pallas import tpu as pltpu
from jax.experimental.pallas import tpu_sc as plsc



def _sc_mask_body(edges_hbm, mask_hbm, e_v, m_v):
    A, DEG, B = edges_hbm.shape
    ach, bch = A // 4, 128
    w = lax.axis_index("s") * 2 + lax.axis_index("c")
    a0 = (w // 8) * ach
    b0 = (w % 8) * bch
    pltpu.sync_copy(edges_hbm.at[pl.ds(a0, ach), :, pl.ds(b0, bch)], e_v)

    def atom_body(a, carry):
        for h in range(bch // 16):
            acc = jnp.zeros((16,), jnp.int32)
            for d in range(DEG):
                e = e_v[a, d, pl.ds(h * 16, 16)]
                acc = acc | jnp.where(e != -1, jnp.int32(1), jnp.int32(0))
            m_v[a, pl.ds(h * 16, 16)] = acc.astype(jnp.float32)
        return carry

    lax.fori_loop(0, ach, atom_body, 0)
    pltpu.sync_copy(m_v, mask_hbm.at[pl.ds(a0, ach), pl.ds(b0, bch)])


def _sc_mask(edges_t):
    A, DEG, B = edges_t.shape
    ach, bch = A // 4, 128
    mesh = plsc.VectorSubcoreMesh(core_axis_name="c", subcore_axis_name="s")
    return functools.partial(
        pl.kernel,
        mesh=mesh,
        out_type=jax.ShapeDtypeStruct((A, B), jnp.float32),
        scratch_types=[
            pltpu.VMEM((ach, DEG, bch), jnp.int32),
            pltpu.VMEM((ach, bch), jnp.float32),
        ],
    )(_sc_mask_body)(edges_t)



def _tc_body(mask_ref, atoms_ref, bonds_ref, wa_ref, wb_ref, bias_ref, out_ref):
    maskf = mask_ref[...]
    pb = jnp.sum(bonds_ref[...] * maskf[:, None, None, :], axis=(0, 1))
    maskt = maskf.T
    pa = jnp.sum(atoms_ref[...] * maskt[:, :, None], axis=1)
    cnt = jnp.sum(maskt, axis=1)
    out = jnp.dot(pa, wa_ref[...], preferred_element_type=jnp.float32)
    out += jax.lax.dot_general(pb, wb_ref[...], (((0,), (0,)), ((), ())),
                               preferred_element_type=jnp.float32)
    out += cnt[:, None] * bias_ref[...]
    out_ref[...] = out


def kernel(atoms, bonds, edges, W, b):
    B, A, AF = atoms.shape
    DEG, BF = bonds.shape[2], bonds.shape[3]
    FP = W.shape[1]
    BB = 128

    bonds_t = jnp.transpose(bonds, (1, 2, 3, 0))
    edges_t = jnp.transpose(edges, (1, 2, 0))
    wa = W[:AF]
    wb = W[AF:]
    bias = b.reshape(1, FP)

    mask = _sc_mask(edges_t)

    return pl.pallas_call(
        _tc_body,
        grid=(B // BB,),
        in_specs=[
            pl.BlockSpec((A, BB), lambda i: (0, i)),
            pl.BlockSpec((BB, A, AF), lambda i: (i, 0, 0)),
            pl.BlockSpec((A, DEG, BF, BB), lambda i: (0, 0, 0, i)),
            pl.BlockSpec((AF, FP), lambda i: (0, 0)),
            pl.BlockSpec((BF, FP), lambda i: (0, 0)),
            pl.BlockSpec((1, FP), lambda i: (0, 0)),
        ],
        out_specs=pl.BlockSpec((BB, FP), lambda i: (i, 0)),
        out_shape=jax.ShapeDtypeStruct((B, FP), jnp.float32),
    )(mask, atoms, bonds_t, wa, wb, bias)

# --- scband reference (transcript-rebuilt; emitter-appended) ---
"""Pipeline reference for scband-neural-graph-output-38912403702398 (READ-ONLY COPY).

The authoritative reference and input builder live on the scoring server;
editing this copy changes nothing except your own understanding.
"""

import jax, jax.numpy as jnp
import numpy as np

B, MAX_ATOMS, MAX_DEG = 1024, 64, 16
NUM_ATOM_FEAT, NUM_BOND_FEAT, FP_LEN = 128, 16, 128


def setup_inputs(seed: int = 0) -> dict:
    key = jax.random.key(seed)
    k_atoms, k_bonds, k_edges, k_w, k_b = (jax.random.fold_in(key, i) for i in range(5))
    atoms = jax.random.normal(k_atoms, (B, MAX_ATOMS, NUM_ATOM_FEAT), dtype=jnp.float32)
    bonds = jax.random.uniform(k_bonds, (B, MAX_ATOMS, MAX_DEG, NUM_BOND_FEAT), dtype=jnp.float32)
    edges = jax.random.randint(k_edges, (B, MAX_ATOMS, MAX_DEG), 0, MAX_ATOMS, dtype=jnp.int32)
    # inner Dense layer params (fp_length=128, default linear activation, bias=True)
    fan_in = NUM_ATOM_FEAT + NUM_BOND_FEAT
    W = jax.random.normal(k_w, (fan_in, FP_LEN), dtype=jnp.float32) * (1.0 / np.sqrt(fan_in))
    b = jnp.zeros((FP_LEN,), dtype=jnp.float32)
    return {"atoms": atoms, "bonds": bonds, "edges": edges, "W": W, "b": b}


def reference(atoms, bonds, edges, W, b):
    # atom_degrees = sum over neighbor slots of (edge != -1)
    atom_degrees = jnp.sum((edges != -1).astype(atoms.dtype), axis=-1, keepdims=True)  # (B, A, 1)
    general_atom_mask = (atom_degrees != 0).astype(atoms.dtype)  # (B, A, 1)
    # sum bond features over the degree axis
    summed_bond_features = jnp.sum(bonds, axis=-2)  # (B, A, bond_feat)
    # concat atom + summed bond features
    atoms_bonds_features = jnp.concatenate([atoms, summed_bond_features], axis=-1)  # (B, A, af+bf)
    # TimeDistributed(Dense(fp_length)) == per-atom affine map
    fingerprint_out_unmasked = atoms_bonds_features @ W + b  # (B, A, fp)
    # mask out padded / degree-0 atoms
    fingerprint_out_masked = fingerprint_out_unmasked * general_atom_mask
    # sum-pool over atoms -> per-molecule fingerprint
    final_fp_out = jnp.sum(fingerprint_out_masked, axis=-2)  # (B, fp)
    return final_fp_out


if False:  # reference __main__ guard neutralized (emitter)
    out = reference(**setup_inputs())
    print(out.shape, out.dtype)

if __name__ == "__main__":
    import jax
    _d = setup_inputs()
    print(jax.jit(kernel)(*tuple(_d.values())))

</pallas_src>

<mosaic_0001>
#map = affine_map<(d0, d1) -> (0, 0, 0)>
#map1 = affine_map<(d0, d1) -> (0, 0)>
module attributes {stable_mosaic.version = 14 : i64} {
  func.func @_sc_mask_body(%arg0: i32, %arg1: i32, %arg2: memref<64x16x1024xi32, #tpu.memory_space<hbm>>, %arg3: memref<64x1024xf32, #tpu.memory_space<hbm>>, %arg4: memref<16x16x128xi32, #tpu.memory_space<vmem>>, %arg5: memref<16x128xf32, #tpu.memory_space<vmem>>) attributes {dimension_semantics = [#tpu.dimension_semantics<core_parallel>, #tpu.dimension_semantics<subcore_parallel>], iteration_bounds = array<i64: 2, 16>, scalar_prefetch = 0 : i64, scratch_operands = 2 : i64, tpu.core_type = #tpu.core_type<sc_vector_subcore>, window_params = [{transform_indices = #map}, {transform_indices = #map1}]} {
    %mul3A = arith.constant 2 : i32
    %mul3A_0 = arith.muli %arg1, %mul3A : i32
    %add3A = arith.addi %mul3A_0, %arg0 : i32
    %jit3A = arith.constant 8 : i32
    %div3A = arith.divsi %add3A, %jit3A : i32
    %sign3A = arith.constant 0 : i32
    %sign3A_1 = arith.cmpi sgt, %add3A, %sign3A : i32
    %sign3A_2 = arith.extui %sign3A_1 : i1 to i32
    %sign3A_3 = arith.constant 0 : i32
    %sign3A_4 = arith.cmpi slt, %add3A, %sign3A_3 : i32
    %sign3A_5 = arith.extui %sign3A_4 : i1 to i32
    %sign3A_6 = arith.subi %sign3A_2, %sign3A_5 : i32
    %sign3A_7 = arith.constant 0 : i32
    %sign3A_8 = arith.cmpi sgt, %jit3A, %sign3A_7 : i32
    %sign3A_9 = arith.extui %sign3A_8 : i1 to i32
    %sign3A_10 = arith.constant 0 : i32
    %sign3A_11 = arith.cmpi slt, %jit3A, %sign3A_10 : i32
    %sign3A_12 = arith.extui %sign3A_11 : i1 to i32
    %sign3A_13 = arith.subi %sign3A_9, %sign3A_12 : i32
    %ne3A = arith.cmpi ne, %sign3A_6, %sign3A_13 : i32
    %rem3A = arith.remsi %add3A, %jit3A : i32
    %ne3A_14 = arith.constant 0 : i32
    %ne3A_15 = arith.cmpi ne, %rem3A, %ne3A_14 : i32
    %and3A = arith.andi %ne3A, %ne3A_15 : i1
    %sub3A = arith.constant 1 : i32
    %sub3A_16 = arith.subi %div3A, %sub3A : i32
    %select_n3A = arith.select %and3A, %sub3A_16, %div3A : i32
    %mul3A_17 = arith.constant 16 : i32
    %mul3A_18 = arith.muli %select_n3A, %mul3A_17 : i32
    %jit3A_19 = arith.constant 8 : i32
    %eq3A = arith.constant 0 : i32
    %eq3A_20 = arith.cmpi eq, %jit3A_19, %eq3A : i32
    %jit3A_21 = arith.constant 1 : i32
    %select_n3A_22 = arith.select %eq3A_20, %jit3A_21, %jit3A_19 : i32
    %rem3A_23 = arith.remsi %add3A, %select_n3A_22 : i32
    %ne3A_24 = arith.constant 0 : i32
    %ne3A_25 = arith.cmpi ne, %rem3A_23, %ne3A_24 : i32
    %lt3A = arith.constant 0 : i32
    %lt3A_26 = arith.cmpi slt, %rem3A_23, %lt3A : i32
    %lt3A_27 = arith.constant 0 : i32
    %lt3A_28 = arith.cmpi slt, %select_n3A_22, %lt3A_27 : i32
    %ne3A_29 = arith.xori %lt3A_26, %lt3A_28 : i1
    %and3A_30 = arith.andi %ne3A_29, %ne3A_25 : i1
    %add3A_31 = arith.addi %rem3A_23, %select_n3A_22 : i32
    %select_n3A_32 = arith.select %and3A_30, %add3A_31, %rem3A_23 : i32
    %mul3A_33 = arith.constant 128 : i32
    %mul3A_34 = arith.muli %select_n3A_32, %mul3A_33 : i32
    "tpu.region"() ({
      %run_scoped3A = tpu.sem_alloc : memref<!tpu.dma_semaphore, #tpu.memory_space<semaphore_mem>>
      %dma_start3A = arith.constant 0 : i32
      %dma_start3A_40 = tpu.memref_slice %arg2[%mul3A_18, %dma_start3A, %mul3A_34] : memref<64x16x1024xi32, #tpu.memory_space<hbm>> -> memref<16x16x128xi32, #tpu.memory_space<hbm>>
      %dma_start3A_41 = arith.constant 0 : i32
      %dma_start3A_42 = tpu.memref_slice %arg2[%mul3A_18, %dma_start3A_41, %mul3A_34] : memref<64x16x1024xi32, #tpu.memory_space<hbm>> -> memref<16x16x128xi32, #tpu.memory_space<hbm>>
      tpu.enqueue_dma source(%dma_start3A_42 : memref<16x16x128xi32, #tpu.memory_space<hbm>>) target(%arg4 : memref<16x16x128xi32, #tpu.memory_space<vmem>>) target_semaphore(%run_scoped3A : memref<!tpu.dma_semaphore, #tpu.memory_space<semaphore_mem>>)
      %dma_wait3A = arith.constant 0 : i32
      %dma_wait3A_43 = tpu.memref_slice %arg2[%mul3A_18, %dma_wait3A, %mul3A_34] : memref<64x16x1024xi32, #tpu.memory_space<hbm>> -> memref<16x16x128xi32, #tpu.memory_space<hbm>>
      %dma_wait3A_44 = arith.constant 0 : i32
      %dma_wait3A_45 = tpu.memref_slice %arg2[%mul3A_18, %dma_wait3A_44, %mul3A_34] : memref<64x16x1024xi32, #tpu.memory_space<hbm>> -> memref<16x16x128xi32, #tpu.memory_space<hbm>>
      tpu.wait_dma2 semaphore(%run_scoped3A : memref<!tpu.dma_semaphore, #tpu.memory_space<semaphore_mem>>) src(%dma_wait3A_45 : memref<16x16x128xi32, #tpu.memory_space<hbm>>) dst(%arg4 : memref<16x16x128xi32, #tpu.memory_space<vmem>>)
      tpu.yield
    }) : () -> ()
    %scan3A = arith.constant 0 : i32
    %scan3A_35 = arith.constant 0 : i32
    %scan3A_36 = arith.constant 16 : i32
    %scan3A_37 = arith.addi %scan3A_35, %scan3A_36 : i32
    %scan3A_38 = arith.constant 1 : i32
    scf.for %scan3A_40 = %scan3A_35 to %scan3A_37 step %scan3A_38  : i32 {
      %broadcast_in_dim3A = arith.constant 0 : i32
      %broadcast_in_dim3A_41 = vector.broadcast %broadcast_in_dim3A : i32 to vector<16xi32>
      %get3A = arith.constant 0 : i32
      %get3A_42 = arith.index_cast %scan3A_40 : i32 to index
      %get3A_43 = arith.index_cast %get3A : i32 to index
      %get3A_44 = arith.constant 0 : index
      %get3A_45 = tpu.vector_load %arg4[%get3A_42, %get3A_43, %get3A_44] {strides = array<i32>} : memref<16x16x128xi32, #tpu.memory_space<vmem>>, vector<1x1x16xi32>,
      %get3A_46 = vector.shape_cast %get3A_45 : vector<1x1x16xi32> to vector<16xi32>
      %ne3A_47 = arith.constant -1 : i32
      %ne3A_48 = vector.broadcast %ne3A_47 : i32 to vector<16xi32>
      %ne3A_49 = arith.cmpi ne, %get3A_46, %ne3A_48 : vector<16xi32>
      %jit3A_50 = arith.constant 1 : i32
      %jit3A_51 = arith.constant 0 : i32
      %broadcast_in_dim3A_52 = vector.broadcast %jit3A_50 : i32 to vector<16xi32>
      %broadcast_in_dim3A_53 = vector.broadcast %jit3A_51 : i32 to vector<16xi32>
      %select_n3A_54 = arith.select %ne3A_49, %broadcast_in_dim3A_52, %broadcast_in_dim3A_53 : vector<16xi1>, vector<16xi32>
      %or3A = arith.ori %broadcast_in_dim3A_41, %select_n3A_54 : vector<16xi32>
      %get3A_55 = arith.constant 1 : i32
      %get3A_56 = arith.index_cast %scan3A_40 : i32 to index
      %get3A_57 = arith.index_cast %get3A_55 : i32 to index
      %get3A_58 = arith.constant 0 : index
      %get3A_59 = tpu.vector_load %arg4[%get3A_56, %get3A_57, %get3A_58] {strides = array<i32>} : memref<16x16x128xi32, #tpu.memory_space<vmem>>, vector<1x1x16xi32>,
      %get3A_60 = vector.shape_cast %get3A_59 : vector<1x1x16xi32> to vector<16xi32>
      %ne3A_61 = arith.constant -1 : i32
      %ne3A_62 = vector.broadcast %ne3A_61 : i32 to vector<16xi32>
      %ne3A_63 = arith.cmpi ne, %get3A_60, %ne3A_62 : vector<16xi32>
      %jit3A_64 = arith.constant 1 : i32
      %jit3A_65 = arith.constant 0 : i32
      %broadcast_in_dim3A_66 = vector.broadcast %jit3A_64 : i32 to vector<16xi32>
      %broadcast_in_dim3A_67 = vector.broadcast %jit3A_65 : i32 to vector<16xi32>
      %select_n3A_68 = arith.select %ne3A_63, %broadcast_in_dim3A_66, %broadcast_in_dim3A_67 : vector<16xi1>, vector<16xi32>
      %or3A_69 = arith.ori %or3A, %select_n3A_68 : vector<16xi32>
      %get3A_70 = arith.constant 2 : i32
      %get3A_71 = arith.index_cast %scan3A_40 : i32 to index
      %get3A_72 = arith.index_cast %get3A_70 : i32 to index
      %get3A_73 = arith.constant 0 : index
      %get3A_74 = tpu.vector_load %arg4[%get3A_71, %get3A_72, %get3A_73] {strides = array<i32>} : memref<16x16x128xi32, #tpu.memory_space<vmem>>, vector<1x1x16xi32>,
      %get3A_75 = vector.shape_cast %get3A_74 : vector<1x1x16xi32> to vector<16xi32>
      %ne3A_76 = arith.constant -1 : i32
      %ne3A_77 = vector.broadcast %ne3A_76 : i32 to vector<16xi32>
      %ne3A_78 = arith.cmpi ne, %get3A_75, %ne3A_77 : vector<16xi32>
      %jit3A_79 = arith.constant 1 : i32
      %jit3A_80 = arith.constant 0 : i32
      %broadcast_in_dim3A_81 = vector.broadcast %jit3A_79 : i32 to vector<16xi32>
      %broadcast_in_dim3A_82 = vector.broadcast %jit3A_80 : i32 to vector<16xi32>
      %select_n3A_83 = arith.select %ne3A_78, %broadcast_in_dim3A_81, %broadcast_in_dim3A_82 : vector<16xi1>, vector<16xi32>
      %or3A_84 = arith.ori %or3A_69, %select_n3A_83 : vector<16xi32>
      %get3A_85 = arith.constant 3 : i32
      %get3A_86 = arith.index_cast %scan3A_40 : i32 to index
      %get3A_87 = arith.index_cast %get3A_85 : i32 to index
      %get3A_88 = arith.constant 0 : index
      %get3A_89 = tpu.vector_load %arg4[%get3A_86, %get3A_87, %get3A_88] {strides = array<i32>} : memref<16x16x128xi32, #tpu.memory_space<vmem>>, vector<1x1x16xi32>,
      %get3A_90 = vector.shape_cast %get3A_89 : vector<1x1x16xi32> to vector<16xi32>
      %ne3A_91 = arith.constant -1 : i32
      %ne3A_92 = vector.broadcast %ne3A_91 : i32 to vector<16xi32>
      %ne3A_93 = arith.cmpi ne, %get3A_90, %ne3A_92 : vector<16xi32>
      %jit3A_94 = arith.constant 1 : i32
      %jit3A_95 = arith.constant 0 : i32
      %broadcast_in_dim3A_96 = vector.broadcast %jit3A_94 : i32 to vector<16xi32>
      %broadcast_in_dim3A_97 = vector.broadcast %jit3A_95 : i32 to vector<16xi32>
      %select_n3A_98 = arith.select %ne3A_93, %broadcast_in_dim3A_96, %broadcast_in_dim3A_97 : vector<16xi1>, vector<16xi32>
      %or3A_99 = arith.ori %or3A_84, %select_n3A_98 : vector<16xi32>
      %get3A_100 = arith.constant 4 : i32
      %get3A_101 = arith.index_cast %scan3A_40 : i32 to index
      %get3A_102 = arith.index_cast %get3A_100 : i32 to index
      %get3A_103 = arith.constant 0 : index
      %get3A_104 = tpu.vector_load %arg4[%get3A_101, %get3A_102, %get3A_103] {strides = array<i32>} : memref<16x16x128xi32, #tpu.memory_space<vmem>>, vector<1x1x16xi32>,
      %get3A_105 = vector.shape_cast %get3A_104 : vector<1x1x16xi32> to vector<16xi32>
      %ne3A_106 = arith.constant -1 : i32
      %ne3A_107 = vector.broadcast %ne3A_106 : i32 to vector<16xi32>
      %ne3A_108 = arith.cmpi ne, %get3A_105, %ne3A_107 : vector<16xi32>
      %jit3A_109 = arith.constant 1 : i32
      %jit3A_110 = arith.constant 0 : i32
      %broadcast_in_dim3A_111 = vector.broadcast %jit3A_109 : i32 to vector<16xi32>
      %broadcast_in_dim3A_112 = vector.broadcast %jit3A_110 : i32 to vector<16xi32>
      %select_n3A_113 = arith.select %ne3A_108, %broadcast_in_dim3A_111, %broadcast_in_dim3A_112 : vector<16xi1>, vector<16xi32>
      %or3A_114 = arith.ori %or3A_99, %select_n3A_113 : vector<16xi32>
      %get3A_115 = arith.constant 5 : i32
      %get3A_116 = arith.index_cast %scan3A_40 : i32 to index
      %get3A_117 = arith.index_cast %get3A_115 : i32 to index
      %get3A_118 = arith.constant 0 : index
      %get3A_119 = tpu.vector_load %arg4[%get3A_116, %get3A_117, %get3A_118] {strides = array<i32>} : memref<16x16x128xi32, #tpu.memory_space<vmem>>, vector<1x1x16xi32>,
      %get3A_120 = vector.shape_cast %get3A_119 : vector<1x1x16xi32> to vector<16xi32>
      %ne3A_121 = arith.constant -1 : i32
      %ne3A_122 = vector.broadcast %ne3A_121 : i32 to vector<16xi32>
      %ne3A_123 = arith.cmpi ne, %get3A_120, %ne3A_122 : vector<16xi32>
      %jit3A_124 = arith.constant 1 : i32
      %jit3A_125 = arith.constant 0 : i32
      %broadcast_in_dim3A_126 = vector.broadcast %jit3A_124 : i32 to vector<16xi32>
      %broadcast_in_dim3A_127 = vector.broadcast %jit3A_125 : i32 to vector<16xi32>
      %select_n3A_128 = arith.select %ne3A_123, %broadcast_in_dim3A_126, %broadcast_in_dim3A_127 : vector<16xi1>, vector<16xi32>
      %or3A_129 = arith.ori %or3A_114, %select_n3A_128 : vector<16xi32>
      %get3A_130 = arith.constant 6 : i32
      %get3A_131 = arith.index_cast %scan3A_40 : i32 to index
      %get3A_132 = arith.index_cast %get3A_130 : i32 to index
      %get3A_133 = arith.constant 0 : index
      %get3A_134 = tpu.vector_load %arg4[%get3A_131, %get3A_132, %get3A_133] {strides = array<i32>} : memref<16x16x128xi32, #tpu.memory_space<vmem>>, vector<1x1x16xi32>,
      %get3A_135 = vector.shape_cast %get3A_134 : vector<1x1x16xi32> to vector<16xi32>
      %ne3A_136 = arith.constant -1 : i32
      %ne3A_137 = vector.broadcast %ne3A_136 : i32 to vector<16xi32>
      %ne3A_138 = arith.cmpi ne, %get3A_135, %ne3A_137 : vector<16xi32>
      %jit3A_139 = arith.constant 1 : i32
      %jit3A_140 = arith.constant 0 : i32
      %broadcast_in_dim3A_141 = vector.broadcast %jit3A_139 : i32 to vector<16xi32>
      %broadcast_in_dim3A_142 = vector.broadcast %jit3A_140 : i32 to vector<16xi32>
      %select_n3A_143 = arith.select %ne3A_138, %broadcast_in_dim3A_141, %broadcast_in_dim3A_142 : vector<16xi1>, vector<16xi32>
      %or3A_144 = arith.ori %or3A_129, %select_n3A_143 : vector<16xi32>
      %get3A_145 = arith.constant 7 : i32
      %get3A_146 = arith.index_cast %scan3A_40 : i32 to index
      %get3A_147 = arith.index_cast %get3A_145 : i32 to index
      %get3A_148 = arith.constant 0 : index
      %get3A_149 = tpu.vector_load %arg4[%get3A_146, %get3A_147, %get3A_148] {strides = array<i32>} : memref<16x16x128xi32, #tpu.memory_space<vmem>>, vector<1x1x16xi32>,
      %get3A_150 = vector.shape_cast %get3A_149 : vector<1x1x16xi32> to vector<16xi32>
      %ne3A_151 = arith.constant -1 : i32
      %ne3A_152 = vector.broadcast %ne3A_151 : i32 to vector<16xi32>
      %ne3A_153 = arith.cmpi ne, %get3A_150, %ne3A_152 : vector<16xi32>
      %jit3A_154 = arith.constant 1 : i32
      %jit3A_155 = arith.constant 0 : i32
      %broadcast_in_dim3A_156 = vector.broadcast %jit3A_154 : i32 to vector<16xi32>
      %broadcast_in_dim3A_157 = vector.broadcast %jit3A_155 : i32 to vector<16xi32>
      %select_n3A_158 = arith.select %ne3A_153, %broadcast_in_dim3A_156, %broadcast_in_dim3A_157 : vector<16xi1>, vector<16xi32>
      %or3A_159 = arith.ori %or3A_144, %select_n3A_158 : vector<16xi32>
      %get3A_160 = arith.constant 8 : i32
      %get3A_161 = arith.index_cast %scan3A_40 : i32 to index
      %get3A_162 = arith.index_cast %get3A_160 : i32 to index
      %get3A_163 = arith.constant 0 : index
      %get3A_164 = tpu.vector_load %arg4[%get3A_161, %get3A_162, %get3A_163] {strides = array<i32>} : memref<16x16x128xi32, #tpu.memory_space<vmem>>, vector<1x1x16xi32>,
      %get3A_165 = vector.shape_cast %get3A_164 : vector<1x1x16xi32> to vector<16xi32>
      %ne3A_166 = arith.constant -1 : i32
      %ne3A_167 = vector.broadcast %ne3A_166 : i32 to vector<16xi32>
      %ne3A_168 = arith.cmpi ne, %get3A_165, %ne3A_167 : vector<16xi32>
      %jit3A_169 = arith.constant 1 : i32
      %jit3A_170 = arith.constant 0 : i32
      %broadcast_in_dim3A_171 = vector.broadcast %jit3A_169 : i32 to vector<16xi32>
      %broadcast_in_dim3A_172 = vector.broadcast %jit3A_170 : i32 to vector<16xi32>
      %select_n3A_173 = arith.select %ne3A_168, %broadcast_in_dim3A_171, %broadcast_in_dim3A_172 : vector<16xi1>, vector<16xi32>
      %or3A_174 = arith.ori %or3A_159, %select_n3A_173 : vector<16xi32>
      %get3A_175 = arith.constant 9 : i32
      %get3A_176 = arith.index_cast %scan3A_40 : i32 to index
      %get3A_177 = arith.index_cast %get3A_175 : i32 to index
      %get3A_178 = arith.constant 0 : index
      %get3A_179 = tpu.vector_load %arg4[%get3A_176, %get3A_177, %get3A_178] {strides = array<i32>} : memref<16x16x128xi32, #tpu.memory_space<vmem>>, vector<1x1x16xi32>,
      %get3A_180 = vector.shape_cast %get3A_179 : vector<1x1x16xi32> to vector<16xi32>
      %ne3A_181 = arith.constant -1 : i32
      %ne3A_182 = vector.broadcast %ne3A_181 : i32 to vector<16xi32>
      %ne3A_183 = arith.cmpi ne, %get3A_180, %ne3A_182 : vector<16xi32>
      %jit3A_184 = arith.constant 1 : i32
      %jit3A_185 = arith.constant 0 : i32
      %broadcast_in_dim3A_186 = vector.broadcast %jit3A_184 : i32 to vector<16xi32>
      %broadcast_in_dim3A_187 = vector.broadcast %jit3A_185 : i32 to vector<16xi32>
      %select_n3A_188 = arith.select %ne3A_183, %broadcast_in_dim3A_186, %broadcast_in_dim3A_187 : vector<16xi1>, vector<16xi32>
      %or3A_189 = arith.ori %or3A_174, %select_n3A_188 : vector<16xi32>
      %get3A_190 = arith.constant 10 : i32
      %get3A_191 = arith.index_cast %scan3A_40 : i32 to index
      %get3A_192 = arith.index_cast %get3A_190 : i32 to index
      %get3A_193 = arith.constant 0 : index
      %get3A_194 = tpu.vector_load %arg4[%get3A_191, %get3A_192, %get3A_193] {strides = array<i32>} : memref<16x16x128xi32, #tpu.memory_space<vmem>>, vector<1x1x16xi32>,
      %get3A_195 = vector.shape_cast %get3A_194 : vector<1x1x16xi32> to vector<16xi32>
      %ne3A_196 = arith.constant -1 : i32
      %ne3A_197 = vector.broadcast %ne3A_196 : i32 to vector<16xi32>
      %ne3A_198 = arith.cmpi ne, %get3A_195, %ne3A_197 : vector<16xi32>
      %jit3A_199 = arith.constant 1 : i32
      %jit3A_200 = arith.constant 0 : i32
      %broadcast_in_dim3A_201 = vector.broadcast %jit3A_199 : i32 to vector<16xi32>
      %broadcast_in_dim3A_202 = vector.broadcast %jit3A_200 : i32 to vector<16xi32>
      %select_n3A_203 = arith.select %ne3A_198, %broadcast_in_dim3A_201, %broadcast_in_dim3A_202 : vector<16xi1>, vector<16xi32>
      %or3A_204 = arith.ori %or3A_189, %select_n3A_203 : vector<16xi32>
      %get3A_205 = arith.constant 11 : i32
      %get3A_206 = arith.index_cast %scan3A_40 : i32 to index
      %get3A_207 = arith.index_cast %get3A_205 : i32 to index
      %get3A_208 = arith.constant 0 : index
      %get3A_209 = tpu.vector_load %arg4[%get3A_206, %get3A_207, %get3A_208] {strides = array<i32>} : memref<16x16x128xi32, #tpu.memory_space<vmem>>, vector<1x1x16xi32>,
      %get3A_210 = vector.shape_cast %get3A_209 : vector<1x1x16xi32> to vector<16xi32>
      %ne3A_211 = arith.constant -1 : i32
      %ne3A_212 = vector.broadcast %ne3A_211 : i32 to vector<16xi32>
      %ne3A_213 = arith.cmpi ne, %get3A_210, %ne3A_212 : vector<16xi32>
      %jit3A_214 = arith.constant 1 : i32
      %jit3A_215 = arith.constant 0 : i32
      %broadcast_in_dim3A_216 = vector.broadcast %jit3A_214 : i32 to vector<16xi32>
      %broadcast_in_dim3A_217 = vector.broadcast %jit3A_215 : i32 to vector<16xi32>
      %select_n3A_218 = arith.select %ne3A_213, %broadcast_in_dim3A_216, %broadcast_in_dim3A_217 : vector<16xi1>, vector<16xi32>
      %or3A_219 = arith.ori %or3A_204, %select_n3A_218 : vector<16xi32>
      %get3A_220 = arith.constant 12 : i32
      %get3A_221 = arith.index_cast %scan3A_40 : i32 to index
      %get3A_222 = arith.index_cast %get3A_220 : i32 to index
      %get3A_223 = arith.constant 0 : index
      %get3A_224 = tpu.vector_load %arg4[%get3A_221, %get3A_222, %get3A_223] {strides = array<i32>} : memref<16x16x128xi32, #tpu.memory_space<vmem>>, vector<1x1x16xi32>,
      %get3A_225 = vector.shape_cast %get3A_224 : vector<1x1x16xi32> to vector<16xi32>
      %ne3A_226 = arith.constant -1 : i32
      %ne3A_227 = vector.broadcast %ne3A_226 : i32 to vector<16xi32>
      %ne3A_228 = arith.cmpi ne, %get3A_225, %ne3A_227 : vector<16xi32>
      %jit3A_229 = arith.constant 1 : i32
      %jit3A_230 = arith.constant 0 : i32
      %broadcast_in_dim3A_231 = vector.broadcast %jit3A_229 : i32 to vector<16xi32>
      %broadcast_in_dim3A_232 = vector.broadcast %jit3A_230 : i32 to vector<16xi32>
      %select_n3A_233 = arith.select %ne3A_228, %broadcast_in_dim3A_231, %broadcast_in_dim3A_232 : vector<16xi1>, vector<16xi32>
      %or3A_234 = arith.ori %or3A_219, %select_n3A_233 : vector<16xi32>
      %get3A_235 = arith.constant 13 : i32
      %get3A_236 = arith.index_cast %scan3A_40 : i32 to index
      %get3A_237 = arith.index_cast %get3A_235 : i32 to index
      %get3A_238 = arith.constant 0 : index
      %get3A_239 = tpu.vector_load %arg4[%get3A_236, %get3A_237, %get3A_238] {strides = array<i32>} : memref<16x16x128xi32, #tpu.memory_space<vmem>>, vector<1x1x16xi32>,
      %get3A_240 = vector.shape_cast %get3A_239 : vector<1x1x16xi32> to vector<16xi32>
      %ne3A_241 = arith.constant -1 : i32
      %ne3A_242 = vector.broadcast %ne3A_241 : i32 to vector<16xi32>
      %ne3A_243 = arith.cmpi ne, %get3A_240, %ne3A_242 : vector<16xi32>
      %jit3A_244 = arith.constant 1 : i32
      %jit3A_245 = arith.constant 0 : i32
      %broadcast_in_dim3A_246 = vector.broadcast %jit3A_244 : i32 to vector<16xi32>
      %broadcast_in_dim3A_247 = vector.broadcast %jit3A_245 : i32 to vector<16xi32>
      %select_n3A_248 = arith.select %ne3A_243, %broadcast_in_dim3A_246, %broadcast_in_dim3A_247 : vector<16xi1>, vector<16xi32>
      %or3A_249 = arith.ori %or3A_234, %select_n3A_248 : vector<16xi32>
      %get3A_250 = arith.constant 14 : i32
      %get3A_251 = arith.index_cast %scan3A_40 : i32 to index
      %get3A_252 = arith.index_cast %get3A_250 : i32 to index
      %get3A_253 = arith.constant 0 : index
      %get3A_254 = tpu.vector_load %arg4[%get3A_251, %get3A_252, %get3A_253] {strides = array<i32>} : memref<16x16x128xi32, #tpu.memory_space<vmem>>, vector<1x1x16xi32>,
      %get3A_255 = vector.shape_cast %get3A_254 : vector<1x1x16xi32> to vector<16xi32>
      %ne3A_256 = arith.constant -1 : i32
      %ne3A_257 = vector.broadcast %ne3A_256 : i32 to vector<16xi32>
      %ne3A_258 = arith.cmpi ne, %get3A_255, %ne3A_257 : vector<16xi32>
      %jit3A_259 = arith.constant 1 : i32
      %jit3A_260 = arith.constant 0 : i32
      %broadcast_in_dim3A_261 = vector.broadcast %jit3A_259 : i32 to vector<16xi32>
      %broadcast_in_dim3A_262 = vector.broadcast %jit3A_260 : i32 to vector<16xi32>
      %select_n3A_263 = arith.select %ne3A_258, %broadcast_in_dim3A_261, %broadcast_in_dim3A_262 : vector<16xi1>, vector<16xi32>
      %or3A_264 = arith.ori %or3A_249, %select_n3A_263 : vector<16xi32>
      %get3A_265 = arith.constant 15 : i32
      %get3A_266 = arith.index_cast %scan3A_40 : i32 to index
      %get3A_267 = arith.index_cast %get3A_265 : i32 to index
      %get3A_268 = arith.constant 0 : index
      %get3A_269 = tpu.vector_load %arg4[%get3A_266, %get3A_267, %get3A_268] {strides = array<i32>} : memref<16x16x128xi32, #tpu.memory_space<vmem>>, vector<1x1x16xi32>,
      %get3A_270 = vector.shape_cast %get3A_269 : vector<1x1x16xi32> to vector<16xi32>
      %ne3A_271 = arith.constant -1 : i32
      %ne3A_272 = vector.broadcast %ne3A_271 : i32 to vector<16xi32>
      %ne3A_273 = arith.cmpi ne, %get3A_270, %ne3A_272 : vector<16xi32>
      %jit3A_274 = arith.constant 1 : i32
      %jit3A_275 = arith.constant 0 : i32
      %broadcast_in_dim3A_276 = vector.broadcast %jit3A_274 : i32 to vector<16xi32>
      %broadcast_in_dim3A_277 = vector.broadcast %jit3A_275 : i32 to vector<16xi32>
      %select_n3A_278 = arith.select %ne3A_273, %broadcast_in_dim3A_276, %broadcast_in_dim3A_277 : vector<16xi1>, vector<16xi32>
      %or3A_279 = arith.ori %or3A_264, %select_n3A_278 : vector<16xi32>
      %convert_element_type3A = arith.sitofp %or3A_279 : vector<16xi32> to vector<16xf32>
      %swap3A = arith.index_cast %scan3A_40 : i32 to index
      %swap3A_280 = arith.constant 0 : index
      %swap3A_281 = tpu.vector_load %arg5[%swap3A, %swap3A_280] {strides = array<i32>} : memref<16x128xf32, #tpu.memory_space<vmem>>, vector<1x16xf32>,
      %swap3A_282 = vector.shape_cast %swap3A_281 : vector<1x16xf32> to vector<16xf32>
      %swap3A_283 = vector.shape_cast %convert_element_type3A : vector<16xf32> to vector<1x16xf32>
      tpu.vector_store %arg5[%swap3A, %swap3A_280], %swap3A_283 {strides = array<i32>} : memref<16x128xf32, #tpu.memory_space<vmem>>, vector<1x16xf32>,
      %broadcast_in_dim3A_284 = arith.constant 0 : i32
      %broadcast_in_dim3A_285 = vector.broadcast %broadcast_in_dim3A_284 : i32 to vector<16xi32>
      %get3A_286 = arith.constant 0 : i32
      %get3A_287 = arith.index_cast %scan3A_40 : i32 to index
      %get3A_288 = arith.index_cast %get3A_286 : i32 to index
      %get3A_289 = arith.constant 16 : index
      %get3A_290 = tpu.vector_load %arg4[%get3A_287, %get3A_288, %get3A_289] {strides = array<i32>} : memref<16x16x128xi32, #tpu.memory_space<vmem>>, vector<1x1x16xi32>,
      %get3A_291 = vector.shape_cast %get3A_290 : vector<1x1x16xi32> to vector<16xi32>
      %ne3A_292 = arith.constant -1 : i32
      %ne3A_293 = vector.broadcast %ne3A_292 : i32 to vector<16xi32>
      %ne3A_294 = arith.cmpi ne, %get3A_291, %ne3A_293 : vector<16xi32>
      %jit3A_295 = arith.constant 1 : i32
      %jit3A_296 = arith.constant 0 : i32
      %broadcast_in_dim3A_297 = vector.broadcast %jit3A_295 : i32 to vector<16xi32>
      %broadcast_in_dim3A_298 = vector.broadcast %jit3A_296 : i32 to vector<16xi32>
      %select_n3A_299 = arith.select %ne3A_294, %broadcast_in_dim3A_297, %broadcast_in_dim3A_298 : vector<16xi1>, vector<16xi32>
      %or3A_300 = arith.ori %broadcast_in_dim3A_285, %select_n3A_299 : vector<16xi32>
      %get3A_301 = arith.constant 1 : i32
      %get3A_302 = arith.index_cast %scan3A_40 : i32 to index
      %get3A_303 = arith.index_cast %get3A_301 : i32 to index
      %get3A_304 = arith.constant 16 : index
      %get3A_305 = tpu.vector_load %arg4[%get3A_302, %get3A_303, %get3A_304] {strides = array<i32>} : memref<16x16x128xi32, #tpu.memory_space<vmem>>, vector<1x1x16xi32>,
      %get3A_306 = vector.shape_cast %get3A_305 : vector<1x1x16xi32> to vector<16xi32>
      %ne3A_307 = arith.constant -1 : i32
      %ne3A_308 = vector.broadcast %ne3A_307 : i32 to vector<16xi32>
      %ne3A_309 = arith.cmpi ne, %get3A_306, %ne3A_308 : vector<16xi32>
      %jit3A_310 = arith.constant 1 : i32
      %jit3A_311 = arith.constant 0 : i32
      %broadcast_in_dim3A_312 = vector.broadcast %jit3A_310 : i32 to vector<16xi32>
      %broadcast_in_dim3A_313 = vector.broadcast %jit3A_311 : i32 to vector<16xi32>
      %select_n3A_314 = arith.select %ne3A_309, %broadcast_in_dim3A_312, %broadcast_in_dim3A_313 : vector<16xi1>, vector<16xi32>
      %or3A_315 = arith.ori %or3A_300, %select_n3A_314 : vector<16xi32>
      %get3A_316 = arith.constant 2 : i32
      %get3A_317 = arith.index_cast %scan3A_40 : i32 to index
      %get3A_318 = arith.index_cast %get3A_316 : i32 to index
      %get3A_319 = arith.constant 16 : index
      %get3A_320 = tpu.vector_load %arg4[%get3A_317, %get3A_318, %get3A_319] {strides = array<i32>} : memref<16x16x128xi32, #tpu.memory_space<vmem>>, vector<1x1x16xi32>,
      %get3A_321 = vector.shape_cast %get3A_320 : vector<1x1x16xi32> to vector<16xi32>
      %ne3A_322 = arith.constant -1 : i32
      %ne3A_323 = vector.broadcast %ne3A_322 : i32 to vector<16xi32>
      %ne3A_324 = arith.cmpi ne, %get3A_321, %ne3A_323 : vector<16xi32>
      %jit3A_325 = arith.constant 1 : i32
      %jit3A_326 = arith.constant 0 : i32
      %broadcast_in_dim3A_327 = vector.broadcast %jit3A_325 : i32 to vector<16xi32>
      %broadcast_in_dim3A_328 = vector.broadcast %jit3A_326 : i32 to vector<16xi32>
      %select_n3A_329 = arith.select %ne3A_324, %broadcast_in_dim3A_327, %broadcast_in_dim3A_328 : vector<16xi1>, vector<16xi32>
      %or3A_330 = arith.ori %or3A_315, %select_n3A_329 : vector<16xi32>
      %get3A_331 = arith.constant 3 : i32
      %get3A_332 = arith.index_cast %scan3A_40 : i32 to index
      %get3A_333 = arith.index_cast %get3A_331 : i32 to index
      %get3A_334 = arith.constant 16 : index
      %get3A_335 = tpu.vector_load %arg4[%get3A_332, %get3A_333, %get3A_334] {strides = array<i32>} : memref<16x16x128xi32, #tpu.memory_space<vmem>>, vector<1x1x16xi32>,
      %get3A_336 = vector.shape_cast %get3A_335 : vector<1x1x16xi32> to vector<16xi32>
      %ne3A_337 = arith.constant -1 : i32
      %ne3A_338 = vector.broadcast %ne3A_337 : i32 to vector<16xi32>
      %ne3A_339 = arith.cmpi ne, %get3A_336, %ne3A_338 : vector<16xi32>
      %jit3A_340 = arith.constant 1 : i32
      %jit3A_341 = arith.constant 0 : i32
      %broadcast_in_dim3A_342 = vector.broadcast %jit3A_340 : i32 to vector<16xi32>
      %broadcast_in_dim3A_343 = vector.broadcast %jit3A_341 : i32 to vector<16xi32>
      %select_n3A_344 = arith.select %ne3A_339, %broadcast_in_dim3A_342, %broadcast_in_dim3A_343 : vector<16xi1>, vector<16xi32>
      %or3A_345 = arith.ori %or3A_330, %select_n3A_344 : vector<16xi32>
      %get3A_346 = arith.constant 4 : i32
      %get3A_347 = arith.index_cast %scan3A_40 : i32 to index
      %get3A_348 = arith.index_cast %get3A_346 : i32 to index
      %get3A_349 = arith.constant 16 : index
      %get3A_350 = tpu.vector_load %arg4[%get3A_347, %get3A_348, %get3A_349] {strides = array<i32>} : memref<16x16x128xi32, #tpu.memory_space<vmem>>, vector<1x1x16xi32>,
      %get3A_351 = vector.shape_cast %get3A_350 : vector<1x1x16xi32> to vector<16xi32>
      %ne3A_352 = arith.constant -1 : i32
      %ne3A_353 = vector.broadcast %ne3A_352 : i32 to vector<16xi32>
      %ne3A_354 = arith.cmpi ne, %get3A_351, %ne3A_353 : vector<16xi32>
      %jit3A_355 = arith.constant 1 : i32
      %jit3A_356 = arith.constant 0 : i32
      %broadcast_in_dim3A_357 = vector.broadcast %jit3A_355 : i32 to vector<16xi32>
      %broadcast_in_dim3A_358 = vector.broadcast %jit3A_356 : i32 to vector<16xi32>
      %select_n3A_359 = arith.select %ne3A_354, %broadcast_in_dim3A_357, %broadcast_in_dim3A_358 : vector<16xi1>, vector<16xi32>
      %or3A_360 = arith.ori %or3A_345, %select_n3A_359 : vector<16xi32>
      %get3A_361 = arith.constant 5 : i32
      %get3A_362 = arith.index_cast %scan3A_40 : i32 to index
      %get3A_363 = arith.index_cast %get3A_361 : i32 to index
      %get3A_364 = arith.constant 16 : index
      %get3A_365 = tpu.vector_load %arg4[%get3A_362, %get3A_363, %get3A_364] {strides = array<i32>} : memref<16x16x128xi32, #tpu.memory_space<vmem>>, vector<1x1x16xi32>,
      %get3A_366 = vector.shape_cast %get3A_365 : vector<1x1x16xi32> to vector<16xi32>
      %ne3A_367 = arith.constant -1 : i32
      %ne3A_368 = vector.broadcast %ne3A_367 : i32 to vector<16xi32>
      %ne3A_369 = arith.cmpi ne, %get3A_366, %ne3A_368 : vector<16xi32>
      %jit3A_370 = arith.constant 1 : i32
      %jit3A_371 = arith.constant 0 : i32
      %broadcast_in_dim3A_372 = vector.broadcast %jit3A_370 : i32 to vector<16xi32>
      %broadcast_in_dim3A_373 = vector.broadcast %jit3A_371 : i32 to vector<16xi32>
      %select_n3A_374 = arith.select %ne3A_369, %broadcast_in_dim3A_372, %broadcast_in_dim3A_373 : vector<16xi1>, vector<16xi32>
      %or3A_375 = arith.ori %or3A_360, %select_n3A_374 : vector<16xi32>
      %get3A_376 = arith.constant 6 : i32
      %get3A_377 = arith.index_cast %scan3A_40 : i32 to index
      %get3A_378 = arith.index_cast %get3A_376 : i32 to index
      %get3A_379 = arith.constant 16 : index
      %get3A_380 = tpu.vector_load %arg4[%get3A_377, %get3A_378, %get3A_379] {strides = array<i32>} : memref<16x16x128xi32, #tpu.memory_space<vmem>>, vector<1x1x16xi32>,
      %get3A_381 = vector.shape_cast %get3A_380 : vector<1x1x16xi32> to vector<16xi32>
      %ne3A_382 = arith.constant -1 : i32
      %ne3A_383 = vector.broadcast %ne3A_382 : i32 to vector<16xi32>
      %ne3A_384 = arith.cmpi ne, %get3A_381, %ne3A_383 : vector<16xi32>
      %jit3A_385 = arith.constant 1 : i32
      %jit3A_386 = arith.constant 0 : i32
      %broadcast_in_dim3A_387 = vector.broadcast %jit3A_385 : i32 to vector<16xi32>
      %broadcast_in_dim3A_388 = vector.broadcast %jit3A_386 : i32 to vector<16xi32>
      %select_n3A_389 = arith.select %ne3A_384, %broadcast_in_dim3A_387, %broadcast_in_dim3A_388 : vector<16xi1>, vector<16xi32>
      %or3A_390 = arith.ori %or3A_375, %select_n3A_389 : vector<16xi32>
      %get3A_391 = arith.constant 7 : i32
      %get3A_392 = arith.index_cast %scan3A_40 : i32 to index
      %get3A_393 = arith.index_cast %get3A_391 : i32 to index
      %get3A_394 = arith.constant 16 : index
      %get3A_395 = tpu.vector_load %arg4[%get3A_392, %get3A_393, %get3A_394] {strides = array<i32>} : memref<16x16x128xi32, #tpu.memory_space<vmem>>, vector<1x1x16xi32>,
      %get3A_396 = vector.shape_cast %get3A_395 : vector<1x1x16xi32> to vector<16xi32>
      %ne3A_397 = arith.constant -1 : i32
      %ne3A_398 = vector.broadcast %ne3A_397 : i32 to vector<16xi32>
      %ne3A_399 = arith.cmpi ne, %get3A_396, %ne3A_398 : vector<16xi32>
      %jit3A_400 = arith.constant 1 : i32
      %jit3A_401 = arith.constant 0 : i32
      %broadcast_in_dim3A_402 = vector.broadcast %jit3A_400 : i32 to vector<16xi32>
      %broadcast_in_dim3A_403 = vector.broadcast %jit3A_401 : i32 to vector<16xi32>
      %select_n3A_404 = arith.select %ne3A_399, %broadcast_in_dim3A_402, %broadcast_in_dim3A_403 : vector<16xi1>, vector<16xi32>
      %or3A_405 = arith.ori %or3A_390, %select_n3A_404 : vector<16xi32>
      %get3A_406 = arith.constant 8 : i32
      %get3A_407 = arith.index_cast %scan3A_40 : i32 to index
      %get3A_408 = arith.index_cast %get3A_406 : i32 to index
      %get3A_409 = arith.constant 16 : index
      %get3A_410 = tpu.vector_load %arg4[%get3A_407, %get3A_408, %get3A_409] {strides = array<i32>} : memref<16x16x128xi32, #tpu.memory_space<vmem>>, vector<1x1x16xi32>,
      %get3A_411 = vector.shape_cast %get3A_410 : vector<1x1x16xi32> to vector<16xi32>
      %ne3A_412 = arith.constant -1 : i32
      %ne3A_413 = vector.broadcast %ne3A_412 : i32 to vector<16xi32>
      %ne3A_414 = arith.cmpi ne, %get3A_411, %ne3A_413 : vector<16xi32>
      %jit3A_415 = arith.constant 1 : i32
      %jit3A_416 = arith.constant 0 : i32
      %broadcast_in_dim3A_417 = vector.broadcast %jit3A_415 : i32 to vector<16xi32>
      %broadcast_in_dim3A_418 = vector.broadcast %jit3A_416 : i32 to vector<16xi32>
      %select_n3A_419 = arith.select %ne3A_414, %broadcast_in_dim3A_417, %broadcast_in_dim3A_418 : vector<16xi1>, vector<16xi32>
      %or3A_420 = arith.ori %or3A_405, %select_n3A_419 : vector<16xi32>
      %get3A_421 = arith.constant 9 : i32
      %get3A_422 = arith.index_cast %scan3A_40 : i32 to index
      %get3A_423 = arith.index_cast %get3A_421 : i32 to index
      %get3A_424 = arith.constant 16 : index
      %get3A_425 = tpu.vector_load %arg4[%get3A_422, %get3A_423, %get3A_424] {strides = array<i32>} : memref<16x16x128xi32, #tpu.memory_space<vmem>>, vector<1x1x16xi32>,
      %get3A_426 = vector.shape_cast %get3A_425 : vector<1x1x16xi32> to vector<16xi32>
      %ne3A_427 = arith.constant -1 : i32
      %ne3A_428 = vector.broadcast %ne3A_427 : i32 to vector<16xi32>
      %ne3A_429 = arith.cmpi ne, %get3A_426, %ne3A_428 : vector<16xi32>
      %jit3A_430 = arith.constant 1 : i32
      %jit3A_431 = arith.constant 0 : i32
      %broadcast_in_dim3A_432 = vector.broadcast %jit3A_430 : i32 to vector<16xi32>
      %broadcast_in_dim3A_433 = vector.broadcast %jit3A_431 : i32 to vector<16xi32>
      %select_n3A_434 = arith.select %ne3A_429, %broadcast_in_dim3A_432, %broadcast_in_dim3A_433 : vector<16xi1>, vector<16xi32>
      %or3A_435 = arith.ori %or3A_420, %select_n3A_434 : vector<16xi32>
      %get3A_436 = arith.constant 10 : i32
      %get3A_437 = arith.index_cast %scan3A_40 : i32 to index
      %get3A_438 = arith.index_cast %get3A_436 : i32 to index
      %get3A_439 = arith.constant 16 : index
      %get3A_440 = tpu.vector_load %arg4[%get3A_437, %get3A_438, %get3A_439] {strides = array<i32>} : memref<16x16x128xi32, #tpu.memory_space<vmem>>, vector<1x1x16xi32>,
      %get3A_441 = vector.shape_cast %get3A_440 : vector<1x1x16xi32> to vector<16xi32>
      %ne3A_442 = arith.constant -1 : i32
      %ne3A_443 = vector.broadcast %ne3A_442 : i32 to vector<16xi32>
      %ne3A_444 = arith.cmpi ne, %get3A_441, %ne3A_443 : vector<16xi32>
      %jit3A_445 = arith.constant 1 : i32
      %jit3A_446 = arith.constant 0 : i32
      %broadcast_in_dim3A_447 = vector.broadcast %jit3A_445 : i32 to vector<16xi32>
      %broadcast_in_dim3A_448 = vector.broadcast %jit3A_446 : i32 to vector<16xi32>
      %select_n3A_449 = arith.select %ne3A_444, %broadcast_in_dim3A_447, %broadcast_in_dim3A_448 : vector<16xi1>, vector<16xi32>
      %or3A_450 = arith.ori %or3A_435, %select_n3A_449 : vector<16xi32>
      %get3A_451 = arith.constant 11 : i32
      %get3A_452 = arith.index_cast %scan3A_40 : i32 to index
      %get3A_453 = arith.index_cast %get3A_451 : i32 to index
      %get3A_454 = arith.constant 16 : index
      %get3A_455 = tpu.vector_load %arg4[%get3A_452, %get3A_453, %get3A_454] {strides = array<i32>} : memref<16x16x128xi32, #tpu.memory_space<vmem>>, vector<1x1x16xi32>,
      %get3A_456 = vector.shape_cast %get3A_455 : vector<1x1x16xi32> to vector<16xi32>
      %ne3A_457 = arith.constant -1 : i32
      %ne3A_458 = vector.broadcast %ne3A_457 : i32 to vector<16xi32>
      %ne3A_459 = arith.cmpi ne, %get3A_456, %ne3A_458 : vector<16xi32>
      %jit3A_460 = arith.constant 1 : i32
      %jit3A_461 = arith.constant 0 : i32
      %broadcast_in_dim3A_462 = vector.broadcast %jit3A_460 : i32 to vector<16xi32>
      %broadcast_in_dim3A_463 = vector.broadcast %jit3A_461 : i32 to vector<16xi32>
      %select_n3A_464 = arith.select %ne3A_459, %broadcast_in_dim3A_462, %broadcast_in_dim3A_463 : vector<16xi1>, vector<16xi32>
      %or3A_465 = arith.ori %or3A_450, %select_n3A_464 : vector<16xi32>
      %get3A_466 = arith.constant 12 : i32
      %get3A_467 = arith.index_cast %scan3A_40 : i32 to index
      %get3A_468 = arith.index_cast %get3A_466 : i32 to index
      %get3A_469 = arith.constant 16 : index
      %get3A_470 = tpu.vector_load %arg4[%get3A_467, %get3A_468, %get3A_469] {strides = array<i32>} : memref<16x16x128xi32, #tpu.memory_space<vmem>>, vector<1x1x16xi32>,
      %get3A_471 = vector.shape_cast %get3A_470 : vector<1x1x16xi32> to vector<16xi32>
      %ne3A_472 = arith.constant -1 : i32
      %ne3A_473 = vector.broadcast %ne3A_472 : i32 to vector<16xi32>
      %ne3A_474 = arith.cmpi ne, %get3A_471, %ne3A_473 : vector<16xi32>
      %jit3A_475 = arith.constant 1 : i32
      %jit3A_476 = arith.constant 0 : i32
      %broadcast_in_dim3A_477 = vector.broadcast %jit3A_475 : i32 to vector<16xi32>
      %broadcast_in_dim3A_478 = vector.broadcast %jit3A_476 : i32 to vector<16xi32>
      %select_n3A_479 = arith.select %ne3A_474, %broadcast_in_dim3A_477, %broadcast_in_dim3A_478 : vector<16xi1>, vector<16xi32>
      %or3A_480 = arith.ori %or3A_465, %select_n3A_479 : vector<16xi32>
      %get3A_481 = arith.constant 13 : i32
      %get3A_482 = arith.index_cast %scan3A_40 : i32 to index
      %get3A_483 = arith.index_cast %get3A_481 : i32 to index
      %get3A_484 = arith.constant 16 : index
      %get3A_485 = tpu.vector_load %arg4[%get3A_482, %get3A_483, %get3A_484] {strides = array<i32>} : memref<16x16x128xi32, #tpu.memory_space<vmem>>, vector<1x1x16xi32>,
      %get3A_486 = vector.shape_cast %get3A_485 : vector<1x1x16xi32> to vector<16xi32>
      %ne3A_487 = arith.constant -1 : i32
      %ne3A_488 = vector.broadcast %ne3A_487 : i32 to vector<16xi32>
      %ne3A_489 = arith.cmpi ne, %get3A_486, %ne3A_488 : vector<16xi32>
      %jit3A_490 = arith.constant 1 : i32
      %jit3A_491 = arith.constant 0 : i32
      %broadcast_in_dim3A_492 = vector.broadcast %jit3A_490 : i32 to vector<16xi32>
      %broadcast_in_dim3A_493 = vector.broadcast %jit3A_491 : i32 to vector<16xi32>
      %select_n3A_494 = arith.select %ne3A_489, %broadcast_in_dim3A_492, %broadcast_in_dim3A_493 : vector<16xi1>, vector<16xi32>
      %or3A_495 = arith.ori %or3A_480, %select_n3A_494 : vector<16xi32>
      %get3A_496 = arith.constant 14 : i32
      %get3A_497 = arith.index_cast %scan3A_40 : i32 to index
      %get3A_498 = arith.index_cast %get3A_496 : i32 to index
      %get3A_499 = arith.constant 16 : index
      %get3A_500 = tpu.vector_load %arg4[%get3A_497, %get3A_498, %get3A_499] {strides = array<i32>} : memref<16x16x128xi32, #tpu.memory_space<vmem>>, vector<1x1x16xi32>,
      %get3A_501 = vector.shape_cast %get3A_500 : vector<1x1x16xi32> to vector<16xi32>
      %ne3A_502 = arith.constant -1 : i32
      %ne3A_503 = vector.broadcast %ne3A_502 : i32 to vector<16xi32>
      %ne3A_504 = arith.cmpi ne, %get3A_501, %ne3A_503 : vector<16xi32>
      %jit3A_505 = arith.constant 1 : i32
      %jit3A_506 = arith.constant 0 : i32
      %broadcast_in_dim3A_507 = vector.broadcast %jit3A_505 : i32 to vector<16xi32>
      %broadcast_in_dim3A_508 = vector.broadcast %jit3A_506 : i32 to vector<16xi32>
      %select_n3A_509 = arith.select %ne3A_504, %broadcast_in_dim3A_507, %broadcast_in_dim3A_508 : vector<16xi1>, vector<16xi32>
      %or3A_510 = arith.ori %or3A_495, %select_n3A_509 : vector<16xi32>
      %get3A_511 = arith.constant 15 : i32
      %get3A_512 = arith.index_cast %scan3A_40 : i32 to index
      %get3A_513 = arith.index_cast %get3A_511 : i32 to index
      %get3A_514 = arith.constant 16 : index
      %get3A_515 = tpu.vector_load %arg4[%get3A_512, %get3A_513, %get3A_514] {strides = array<i32>} : memref<16x16x128xi32, #tpu.memory_space<vmem>>, vector<1x1x16xi32>,
      %get3A_516 = vector.shape_cast %get3A_515 : vector<1x1x16xi32> to vector<16xi32>
      %ne3A_517 = arith.constant -1 : i32
      %ne3A_518 = vector.broadcast %ne3A_517 : i32 to vector<16xi32>
      %ne3A_519 = arith.cmpi ne, %get3A_516, %ne3A_518 : vector<16xi32>
      %jit3A_520 = arith.constant 1 : i32
      %jit3A_521 = arith.constant 0 : i32
      %broadcast_in_dim3A_522 = vector.broadcast %jit3A_520 : i32 to vector<16xi32>
      %broadcast_in_dim3A_523 = vector.broadcast %jit3A_521 : i32 to vector<16xi32>
      %select_n3A_524 = arith.select %ne3A_519, %broadcast_in_dim3A_522, %broadcast_in_dim3A_523 : vector<16xi1>, vector<16xi32>
      %or3A_525 = arith.ori %or3A_510, %select_n3A_524 : vector<16xi32>
      %convert_element_type3A_526 = arith.sitofp %or3A_525 : vector<16xi32> to vector<16xf32>
      %swap3A_527 = arith.index_cast %scan3A_40 : i32 to index
      %swap3A_528 = arith.constant 16 : index
      %swap3A_529 = tpu.vector_load %arg5[%swap3A_527, %swap3A_528] {strides = array<i32>} : memref<16x128xf32, #tpu.memory_space<vmem>>, vector<1x16xf32>,
      %swap3A_530 = vector.shape_cast %swap3A_529 : vector<1x16xf32> to vector<16xf32>
      %swap3A_531 = vector.shape_cast %convert_element_type3A_526 : vector<16xf32> to vector<1x16xf32>
      tpu.vector_store %arg5[%swap3A_527, %swap3A_528], %swap3A_531 {strides = array<i32>} : memref<16x128xf32, #tpu.memory_space<vmem>>, vector<1x16xf32>,
      %broadcast_in_dim3A_532 = arith.constant 0 : i32
      %broadcast_in_dim3A_533 = vector.broadcast %broadcast_in_dim3A_532 : i32 to vector<16xi32>
      %get3A_534 = arith.constant 0 : i32
      %get3A_535 = arith.index_cast %scan3A_40 : i32 to index
      %get3A_536 = arith.index_cast %get3A_534 : i32 to index
      %get3A_537 = arith.constant 32 : index
      %get3A_538 = tpu.vector_load %arg4[%get3A_535, %get3A_536, %get3A_537] {strides = array<i32>} : memref<16x16x128xi32, #tpu.memory_space<vmem>>, vector<1x1x16xi32>,
      %get3A_539 = vector.shape_cast %get3A_538 : vector<1x1x16xi32> to vector<16xi32>
      %ne3A_540 = arith.constant -1 : i32
      %ne3A_541 = vector.broadcast %ne3A_540 : i32 to vector<16xi32>
      %ne3A_542 = arith.cmpi ne, %get3A_539, %ne3A_541 : vector<16xi32>
      %jit3A_543 = arith.constant 1 : i32
      %jit3A_544 = arith.constant 0 : i32
      %broadcast_in_dim3A_545 = vector.broadcast %jit3A_543 : i32 to vector<16xi32>
      %broadcast_in_dim3A_546 = vector.broadcast %jit3A_544 : i32 to vector<16xi32>
      %select_n3A_547 = arith.select %ne3A_542, %broadcast_in_dim3A_545, %broadcast_in_dim3A_546 : vector<16xi1>, vector<16xi32>
      %or3A_548 = arith.ori %broadcast_in_dim3A_533, %select_n3A_547 : vector<16xi32>
      %get3A_549 = arith.constant 1 : i32
      %get3A_550 = arith.index_cast %scan3A_40 : i32 to index
      %get3A_551 = arith.index_cast %get3A_549 : i32 to index
      %get3A_552 = arith.constant 32 : index
      %get3A_553 = tpu.vector_load %arg4[%get3A_550, %get3A_551, %get3A_552] {strides = array<i32>} : memref<16x16x128xi32, #tpu.memory_space<vmem>>, vector<1x1x16xi32>,
      %get3A_554 = vector.shape_cast %get3A_553 : vector<1x1x16xi32> to vector<16xi32>
      %ne3A_555 = arith.constant -1 : i32
      %ne3A_556 = vector.broadcast %ne3A_555 : i32 to vector<16xi32>
      %ne3A_557 = arith.cmpi ne, %get3A_554, %ne3A_556 : vector<16xi32>
      %jit3A_558 = arith.constant 1 : i32
      %jit3A_559 = arith.constant 0 : i32
      %broadcast_in_dim3A_560 = vector.broadcast %jit3A_558 : i32 to vector<16xi32>
      %broadcast_in_dim3A_561 = vector.broadcast %jit3A_559 : i32 to vector<16xi32>
      %select_n3A_562 = arith.select %ne3A_557, %broadcast_in_dim3A_560, %broadcast_in_dim3A_561 : vector<16xi1>, vector<16xi32>
      %or3A_563 = arith.ori %or3A_548, %select_n3A_562 : vector<16xi32>
      %get3A_564 = arith.constant 2 : i32
      %get3A_565 = arith.index_cast %scan3A_40 : i32 to index
      %get3A_566 = arith.index_cast %get3A_564 : i32 to index
      %get3A_567 = arith.constant 32 : index
      %get3A_568 = tpu.vector_load %arg4[%get3A_565, %get3A_566, %get3A_567] {strides = array<i32>} : memref<16x16x128xi32, #tpu.memory_space<vmem>>, vector<1x1x16xi32>,
      %get3A_569 = vector.shape_cast %get3A_568 : vector<1x1x16xi32> to vector<16xi32>
      %ne3A_570 = arith.constant -1 : i32
      %ne3A_571 = vector.broadcast %ne3A_570 : i32 to vector<16xi32>
      %ne3A_572 = arith.cmpi ne, %get3A_569, %ne3A_571 : vector<16xi32>
      %jit3A_573 = arith.constant 1 : i32
      %jit3A_574 = arith.constant 0 : i32
      %broadcast_in_dim3A_575 = vector.broadcast %jit3A_573 : i32 to vector<16xi32>
      %broadcast_in_dim3A_576 = vector.broadcast %jit3A_574 : i32 to vector<16xi32>
      %select_n3A_577 = arith.select %ne3A_572, %broadcast_in_dim3A_575, %broadcast_in_dim3A_576 : vector<16xi1>, vector<16xi32>
      %or3A_578 = arith.ori %or3A_563, %select_n3A_577 : vector<16xi32>
      %get3A_579 = arith.constant 3 : i32
      %get3A_580 = arith.index_cast %scan3A_40 : i32 to index
      %get3A_581 = arith.index_cast %get3A_579 : i32 to index
      %get3A_582 = arith.constant 32 : index
      %get3A_583 = tpu.vector_load %arg4[%get3A_580, %get3A_581, %get3A_582] {strides = array<i32>} : memref<16x16x128xi32, #tpu.memory_space<vmem>>, vector<1x1x16xi32>,
      %get3A_584 = vector.shape_cast %get3A_583 : vector<1x1x16xi32> to vector<16xi32>
      %ne3A_585 = arith.constant -1 : i32
      %ne3A_586 = vector.broadcast %ne3A_585 : i32 to vector<16xi32>
      %ne3A_587 = arith.cmpi ne, %get3A_584, %ne3A_586 : vector<16xi32>
      %jit3A_588 = arith.constant 1 : i32
      %jit3A_589 = arith.constant 0 : i32
      %broadcast_in_dim3A_590 = vector.broadcast %jit3A_588 : i32 to vector<16xi32>
      %broadcast_in_dim3A_591 = vector.broadcast %jit3A_589 : i32 to vector<16xi32>
      %select_n3A_592 = arith.select %ne3A_587, %broadcast_in_dim3A_590, %broadcast_in_dim3A_591 : vector<16xi1>, vector<16xi32>
      %or3A_593 = arith.ori %or3A_578, %select_n3A_592 : vector<16xi32>
      %get3A_594 = arith.constant 4 : i32
      %get3A_595 = arith.index_cast %scan3A_40 : i32 to index
      %get3A_596 = arith.index_cast %get3A_594 : i32 to index
      %get3A_597 = arith.constant 32 : index
      %get3A_598 = tpu.vector_load %arg4[%get3A_595, %get3A_596, %get3A_597] {strides = array<i32>} : memref<16x16x128xi32, #tpu.memory_space<vmem>>, vector<1x1x16xi32>,
      %get3A_599 = vector.shape_cast %get3A_598 : vector<1x1x16xi32> to vector<16xi32>
      %ne3A_600 = arith.constant -1 : i32
      %ne3A_601 = vector.broadcast %ne3A_600 : i32 to vector<16xi32>
      %ne3A_602 = arith.cmpi ne, %get3A_599, %ne3A_601 : vector<16xi32>
      %jit3A_603 = arith.constant 1 : i32
      %jit3A_604 = arith.constant 0 : i32
      %broadcast_in_dim3A_605 = vector.broadcast %jit3A_603 : i32 to vector<16xi32>
      %broadcast_in_dim3A_606 = vector.broadcast %jit3A_604 : i32 to vector<16xi32>
      %select_n3A_607 = arith.select %ne3A_602, %broadcast_in_dim3A_605, %broadcast_in_dim3A_606 : vector<16xi1>, vector<16xi32>
      %or3A_608 = arith.ori %or3A_593, %select_n3A_607 : vector<16xi32>
      %get3A_609 = arith.constant 5 : i32
      %get3A_610 = arith.index_cast %scan3A_40 : i32 to index
      %get3A_611 = arith.index_cast %get3A_609 : i32 to index
      %get3A_612 = arith.constant 32 : index
      %get3A_613 = tpu.vector_load %arg4[%get3A_610, %get3A_611, %get3A_612] {strides = array<i32>} : memref<16x16x128xi32, #tpu.memory_space<vmem>>, vector<1x1x16xi32>,
      %get3A_614 = vector.shape_cast %get3A_613 : vector<1x1x16xi32> to vector<16xi32>
      %ne3A_615 = arith.constant -1 : i32
      %ne3A_616 = vector.broadcast %ne3A_615 : i32 to vector<16xi32>
      %ne3A_617 = arith.cmpi ne, %get3A_614, %ne3A_616 : vector<16xi32>
      %jit3A_618 = arith.constant 1 : i32
      %jit3A_619 = arith.constant 0 : i32
      %broadcast_in_dim3A_620 = vector.broadcast %jit3A_618 : i32 to vector<16xi32>
      %broadcast_in_dim3A_621 = vector.broadcast %jit3A_619 : i32 to vector<16xi32>
      %select_n3A_622 = arith.select %ne3A_617, %broadcast_in_dim3A_620, %broadcast_in_dim3A_621 : vector<16xi1>, vector<16xi32>
      %or3A_623 = arith.ori %or3A_608, %select_n3A_622 : vector<16xi32>
      %get3A_624 = arith.constant 6 : i32
      %get3A_625 = arith.index_cast %scan3A_40 : i32 to index
      %get3A_626 = arith.index_cast %get3A_624 : i32 to index
      %get3A_627 = arith.constant 32 : index
      %get3A_628 = tpu.vector_load %arg4[%get3A_625, %get3A_626, %get3A_627] {strides = array<i32>} : memref<16x16x128xi32, #tpu.memory_space<vmem>>, vector<1x1x16xi32>,
      %get3A_629 = vector.shape_cast %get3A_628 : vector<1x1x16xi32> to vector<16xi32>
      %ne3A_630 = arith.constant -1 : i32
      %ne3A_631 = vector.broadcast %ne3A_630 : i32 to vector<16xi32>
      %ne3A_632 = arith.cmpi ne, %get3A_629, %ne3A_631 : vector<16xi32>
      %jit3A_633 = arith.constant 1 : i32
      %jit3A_634 = arith.constant 0 : i32
      %broadcast_in_dim3A_635 = vector.broadcast %jit3A_633 : i32 to vector<16xi32>
      %broadcast_in_dim3A_636 = vector.broadcast %jit3A_634 : i32 to vector<16xi32>
      %select_n3A_637 = arith.select %ne3A_632, %broadcast_in_dim3A_635, %broadcast_in_dim3A_636 : vector<16xi1>, vector<16xi32>
      %or3A_638 = arith.ori %or3A_623, %select_n3A_637 : vector<16xi32>
      %get3A_639 = arith.constant 7 : i32
      %get3A_640 = arith.index_cast %scan3A_40 : i32 to index
      %get3A_641 = arith.index_cast %get3A_639 : i32 to index
      %get3A_642 = arith.constant 32 : index
      %get3A_643 = tpu.vector_load %arg4[%get3A_640, %get3A_641, %get3A_642] {strides = array<i32>} : memref<16x16x128xi32, #tpu.memory_space<vmem>>, vector<1x1x16xi32>,
      %get3A_644 = vector.shape_cast %get3A_643 : vector<1x1x16xi32> to vector<16xi32>
      %ne3A_645 = arith.constant -1 : i32
      %ne3A_646 = vector.broadcast %ne3A_645 : i32 to vector<16xi32>
      %ne3A_647 = arith.cmpi ne, %get3A_644, %ne3A_646 : vector<16xi32>
      %jit3A_648 = arith.constant 1 : i32
      %jit3A_649 = arith.constant 0 : i32
      %broadcast_in_dim3A_650 = vector.broadcast %jit3A_648 : i32 to vector<16xi32>
      %broadcast_in_dim3A_651 = vector.broadcast %jit3A_649 : i32 to vector<16xi32>
      %select_n3A_652 = arith.select %ne3A_647, %broadcast_in_dim3A_650, %broadcast_in_dim3A_651 : vector<16xi1>, vector<16xi32>
      %or3A_653 = arith.ori %or3A_638, %select_n3A_652 : vector<16xi32>
      %get3A_654 = arith.constant 8 : i32
      %get3A_655 = arith.index_cast %scan3A_40 : i32 to index
      %get3A_656 = arith.index_cast %get3A_654 : i32 to index
      %get3A_657 = arith.constant 32 : index
      %get3A_658 = tpu.vector_load %arg4[%get3A_655, %get3A_656, %get3A_657] {strides = array<i32>} : memref<16x16x128xi32, #tpu.memory_space<vmem>>, vector<1x1x16xi32>,
      %get3A_659 = vector.shape_cast %get3A_658 : vector<1x1x16xi32> to vector<16xi32>
      %ne3A_660 = arith.constant -1 : i32
      %ne3A_661 = vector.broadcast %ne3A_660 : i32 to vector<16xi32>
      %ne3A_662 = arith.cmpi ne, %get3A_659, %ne3A_661 : vector<16xi32>
      %jit3A_663 = arith.constant 1 : i32
      %jit3A_664 = arith.constant 0 : i32
      %broadcast_in_dim3A_665 = vector.broadcast %jit3A_663 : i32 to vector<16xi32>
      %broadcast_in_dim3A_666 = vector.broadcast %jit3A_664 : i32 to vector<16xi32>
      %select_n3A_667 = arith.select %ne3A_662, %broadcast_in_dim3A_665, %broadcast_in_dim3A_666 : vector<16xi1>, vector<16xi32>
      %or3A_668 = arith.ori %or3A_653, %select_n3A_667 : vector<16xi32>
      %get3A_669 = arith.constant 9 : i32
      %get3A_670 = arith.index_cast %scan3A_40 : i32 to index
      %get3A_671 = arith.index_cast %get3A_669 : i32 to index
      %get3A_672 = arith.constant 32 : index
      %get3A_673 = tpu.vector_load %arg4[%get3A_670, %get3A_671, %get3A_672] {strides = array<i32>} : memref<16x16x128xi32, #tpu.memory_space<vmem>>, vector<1x1x16xi32>,
      %get3A_674 = vector.shape_cast %get3A_673 : vector<1x1x16xi32> to vector<16xi32>
      %ne3A_675 = arith.constant -1 : i32
      %ne3A_676 = vector.broadcast %ne3A_675 : i32 to vector<16xi32>
      %ne3A_677 = arith.cmpi ne, %get3A_674, %ne3A_676 : vector<16xi32>
      %jit3A_678 = arith.constant 1 : i32
      %jit3A_679 = arith.constant 0 : i32
      %broadcast_in_dim3A_680 = vector.broadcast %jit3A_678 : i32 to vector<16xi32>
      %broadcast_in_dim3A_681 = vector.broadcast %jit3A_679 : i32 to vector<16xi32>
      %select_n3A_682 = arith.select %ne3A_677, %broadcast_in_dim3A_680, %broadcast_in_dim3A_681 : vector<16xi1>, vector<16xi32>
      %or3A_683 = arith.ori %or3A_668, %select_n3A_682 : vector<16xi32>
      %get3A_684 = arith.constant 10 : i32
      %get3A_685 = arith.index_cast %scan3A_40 : i32 to index
      %get3A_686 = arith.index_cast %get3A_684 : i32 to index
      %get3A_687 = arith.constant 32 : index
      %get3A_688 = tpu.vector_load %arg4[%get3A_685, %get3A_686, %get3A_687] {strides = array<i32>} : memref<16x16x128xi32, #tpu.memory_space<vmem>>, vector<1x1x16xi32>,
      %get3A_689 = vector.shape_cast %get3A_688 : vector<1x1x16xi32> to vector<16xi32>
      %ne3A_690 = arith.constant -1 : i32
      %ne3A_691 = vector.broadcast %ne3A_690 : i32 to vector<16xi32>
      %ne3A_692 = arith.cmpi ne, %get3A_689, %ne3A_691 : vector<16xi32>
      %jit3A_693 = arith.constant 1 : i32
      %jit3A_694 = arith.constant 0 : i32
      %broadcast_in_dim3A_695 = vector.broadcast %jit3A_693 : i32 to vector<16xi32>
      %broadcast_in_dim3A_696 = vector.broadcast %jit3A_694 : i32 to vector<16xi32>
      %select_n3A_697 = arith.select %ne3A_692, %broadcast_in_dim3A_695, %broadcast_in_dim3A_696 : vector<16xi1>, vector<16xi32>
      %or3A_698 = arith.ori %or3A_683, %select_n3A_697 : vector<16xi32>
      %get3A_699 = arith.constant 11 : i32
      %get3A_700 = arith.index_cast %scan3A_40 : i32 to index
      %get3A_701 = arith.index_cast %get3A_699 : i32 to index
      %get3A_702 = arith.constant 32 : index
      %get3A_703 = tpu.vector_load %arg4[%get3A_700, %get3A_701, %get3A_702] {strides = array<i32>} : memref<16x16x128xi32, #tpu.memory_space<vmem>>, vector<1x1x16xi32>,
      %get3A_704 = vector.shape_cast %get3A_703 : vector<1x1x16xi32> to vector<16xi32>
      %ne3A_705 = arith.constant -1 : i32
      %ne3A_706 = vector.broadcast %ne3A_705 : i32 to vector<16xi32>
      %ne3A_707 = arith.cmpi ne, %get3A_704, %ne3A_706 : vector<16xi32>
      %jit3A_708 = arith.constant 1 : i32
      %jit3A_709 = arith.constant 0 : i32
      %broadcast_in_dim3A_710 = vector.broadcast %jit3A_708 : i32 to vector<16xi32>
      %broadcast_in_dim3A_711 = vector.broadcast %jit3A_709 : i32 to vector<16xi32>
      %select_n3A_712 = arith.select %ne3A_707, %broadcast_in_dim3A_710, %broadcast_in_dim3A_711 : vector<16xi1>, vector<16xi32>
      %or3A_713 = arith.ori %or3A_698, %select_n3A_712 : vector<16xi32>
      %get3A_714 = arith.constant 12 : i32
      %get3A_715 = arith.index_cast %scan3A_40 : i32 to index
      %get3A_716 = arith.index_cast %get3A_714 : i32 to index
      %get3A_717 = arith.constant 32 : index
      %get3A_718 = tpu.vector_load %arg4[%get3A_715, %get3A_716, %get3A_717] {strides = array<i32>} : memref<16x16x128xi32, #tpu.memory_space<vmem>>, vector<1x1x16xi32>,
      %get3A_719 = vector.shape_cast %get3A_718 : vector<1x1x16xi32> to vector<16xi32>
      %ne3A_720 = arith.constant -1 : i32
      %ne3A_721 = vector.broadcast %ne3A_720 : i32 to vector<16xi32>
      %ne3A_722 = arith.cmpi ne, %get3A_719, %ne3A_721 : vector<16xi32>
      %jit3A_723 = arith.constant 1 : i32
      %jit3A_724 = arith.constant 0 : i32
      %broadcast_in_dim3A_725 = vector.broadcast %jit3A_723 : i32 to vector<16xi32>
      %broadcast_in_dim3A_726 = vector.broadcast %jit3A_724 : i32 to vector<16xi32>
      %select_n3A_727 = arith.select %ne3A_722, %broadcast_in_dim3A_725, %broadcast_in_dim3A_726 : vector<16xi1>, vector<16xi32>
      %or3A_728 = arith.ori %or3A_713, %select_n3A_727 : vector<16xi32>
      %get3A_729 = arith.constant 13 : i32
      %get3A_730 = arith.index_cast %scan3A_40 : i32 to index
      %get3A_731 = arith.index_cast %get3A_729 : i32 to index
      %get3A_732 = arith.constant 32 : index
      %get3A_733 = tpu.vector_load %arg4[%get3A_730, %get3A_731, %get3A_732] {strides = array<i32>} : memref<16x16x128xi32, #tpu.memory_space<vmem>>, vector<1x1x16xi32>,
      %get3A_734 = vector.shape_cast %get3A_733 : vector<1x1x16xi32> to vector<16xi32>
      %ne3A_735 = arith.constant -1 : i32
      %ne3A_736 = vector.broadcast %ne3A_735 : i32 to vector<16xi32>
      %ne3A_737 = arith.cmpi ne, %get3A_734, %ne3A_736 : vector<16xi32>
      %jit3A_738 = arith.constant 1 : i32
      %jit3A_739 = arith.constant 0 : i32
      %broadcast_in_dim3A_740 = vector.broadcast %jit3A_738 : i32 to vector<16xi32>
      %broadcast_in_dim3A_741 = vector.broadcast %jit3A_739 : i32 to vector<16xi32>
      %select_n3A_742 = arith.select %ne3A_737, %broadcast_in_dim3A_740, %broadcast_in_dim3A_741 : vector<16xi1>, vector<16xi32>
      %or3A_743 = arith.ori %or3A_728, %select_n3A_742 : vector<16xi32>
      %get3A_744 = arith.constant 14 : i32
      %get3A_745 = arith.index_cast %scan3A_40 : i32 to index
      %get3A_746 = arith.index_cast %get3A_744 : i32 to index
      %get3A_747 = arith.constant 32 : index
      %get3A_748 = tpu.vector_load %arg4[%get3A_745, %get3A_746, %get3A_747] {strides = array<i32>} : memref<16x16x128xi32, #tpu.memory_space<vmem>>, vector<1x1x16xi32>,
      %get3A_749 = vector.shape_cast %get3A_748 : vector<1x1x16xi32> to vector<16xi32>
      %ne3A_750 = arith.constant -1 : i32
      %ne3A_751 = vector.broadcast %ne3A_750 : i32 to vector<16xi32>
      %ne3A_752 = arith.cmpi ne, %get3A_749, %ne3A_751 : vector<16xi32>
      %jit3A_753 = arith.constant 1 : i32
      %jit3A_754 = arith.constant 0 : i32
      %broadcast_in_dim3A_755 = vector.broadcast %jit3A_753 : i32 to vector<16xi32>
      %broadcast_in_dim3A_756 = vector.broadcast %jit3A_754 : i32 to vector<16xi32>
      %select_n3A_757 = arith.select %ne3A_752, %broadcast_in_dim3A_755, %broadcast_in_dim3A_756 : vector<16xi1>, vector<16xi32>
      %or3A_758 = arith.ori %or3A_743, %select_n3A_757 : vector<16xi32>
      %get3A_759 = arith.constant 15 : i32
      %get3A_760 = arith.index_cast %scan3A_40 : i32 to index
      %get3A_761 = arith.index_cast %get3A_759 : i32 to index
      %get3A_762 = arith.constant 32 : index
      %get3A_763 = tpu.vector_load %arg4[%get3A_760, %get3A_761, %get3A_762] {strides = array<i32>} : memref<16x16x128xi32, #tpu.memory_space<vmem>>, vector<1x1x16xi32>,
      %get3A_764 = vector.shape_cast %get3A_763 : vector<1x1x16xi32> to vector<16xi32>
      %ne3A_765 = arith.constant -1 : i32
      %ne3A_766 = vector.broadcast %ne3A_765 : i32 to vector<16xi32>
      %ne3A_767 = arith.cmpi ne, %get3A_764, %ne3A_766 : vector<16xi32>
      %jit3A_768 = arith.constant 1 : i32
      %jit3A_769 = arith.constant 0 : i32
      %broadcast_in_dim3A_770 = vector.broadcast %jit3A_768 : i32 to vector<16xi32>
      %broadcast_in_dim3A_771 = vector.broadcast %jit3A_769 : i32 to vector<16xi32>
      %select_n3A_772 = arith.select %ne3A_767, %broadcast_in_dim3A_770, %broadcast_in_dim3A_771 : vector<16xi1>, vector<16xi32>
      %or3A_773 = arith.ori %or3A_758, %select_n3A_772 : vector<16xi32>
      %convert_element_type3A_774 = arith.sitofp %or3A_773 : vector<16xi32> to vector<16xf32>
      %swap3A_775 = arith.index_cast %scan3A_40 : i32 to index
      %swap3A_776 = arith.constant 32 : index
      %swap3A_777 = tpu.vector_load %arg5[%swap3A_775, %swap3A_776] {strides = array<i32>} : memref<16x128xf32, #tpu.memory_space<vmem>>, vector<1x16xf32>,
      %swap3A_778 = vector.shape_cast %swap3A_777 : vector<1x16xf32> to vector<16xf32>
      %swap3A_779 = vector.shape_cast %convert_element_type3A_774 : vector<16xf32> to vector<1x16xf32>
      tpu.vector_store %arg5[%swap3A_775, %swap3A_776], %swap3A_779 {strides = array<i32>} : memref<16x128xf32, #tpu.memory_space<vmem>>, vector<1x16xf32>,
      %broadcast_in_dim3A_780 = arith.constant 0 : i32
      %broadcast_in_dim3A_781 = vector.broadcast %broadcast_in_dim3A_780 : i32 to vector<16xi32>
      %get3A_782 = arith.constant 0 : i32
      %get3A_783 = arith.index_cast %scan3A_40 : i32 to index
      %get3A_784 = arith.index_cast %get3A_782 : i32 to index
      %get3A_785 = arith.constant 48 : index
      %get3A_786 = tpu.vector_load %arg4[%get3A_783, %get3A_784, %get3A_785] {strides = array<i32>} : memref<16x16x128xi32, #tpu.memory_space<vmem>>, vector<1x1x16xi32>,
      %get3A_787 = vector.shape_cast %get3A_786 : vector<1x1x16xi32> to vector<16xi32>
      %ne3A_788 = arith.constant -1 : i32
      %ne3A_789 = vector.broadcast %ne3A_788 : i32 to vector<16xi32>
      %ne3A_790 = arith.cmpi ne, %get3A_787, %ne3A_789 : vector<16xi32>
      %jit3A_791 = arith.constant 1 : i32
      %jit3A_792 = arith.constant 0 : i32
      %broadcast_in_dim3A_793 = vector.broadcast %jit3A_791 : i32 to vector<16xi32>
      %broadcast_in_dim3A_794 = vector.broadcast %jit3A_792 : i32 to vector<16xi32>
      %select_n3A_795 = arith.select %ne3A_790, %broadcast_in_dim3A_793, %broadcast_in_dim3A_794 : vector<16xi1>, vector<16xi32>
      %or3A_796 = arith.ori %broadcast_in_dim3A_781, %select_n3A_795 : vector<16xi32>
      %get3A_797 = arith.constant 1 : i32
      %get3A_798 = arith.index_cast %scan3A_40 : i32 to index
      %get3A_799 = arith.index_cast %get3A_797 : i32 to index
      %get3A_800 = arith.constant 48 : index
      %get3A_801 = tpu.vector_load %arg4[%get3A_798, %get3A_799, %get3A_800] {strides = array<i32>} : memref<16x16x128xi32, #tpu.memory_space<vmem>>, vector<1x1x16xi32>,
      %get3A_802 = vector.shape_cast %get3A_801 : vector<1x1x16xi32> to vector<16xi32>
      %ne3A_803 = arith.constant -1 : i32
      %ne3A_804 = vector.broadcast %ne3A_803 : i32 to vector<16xi32>
      %ne3A_805 = arith.cmpi ne, %get3A_802, %ne3A_804 : vector<16xi32>
      %jit3A_806 = arith.constant 1 : i32
      %jit3A_807 = arith.constant 0 : i32
      %broadcast_in_dim3A_808 = vector.broadcast %jit3A_806 : i32 to vector<16xi32>
      %broadcast_in_dim3A_809 = vector.broadcast %jit3A_807 : i32 to vector<16xi32>
      %select_n3A_810 = arith.select %ne3A_805, %broadcast_in_dim3A_808, %broadcast_in_dim3A_809 : vector<16xi1>, vector<16xi32>
      %or3A_811 = arith.ori %or3A_796, %select_n3A_810 : vector<16xi32>
      %get3A_812 = arith.constant 2 : i32
      %get3A_813 = arith.index_cast %scan3A_40 : i32 to index
      %get3A_814 = arith.index_cast %get3A_812 : i32 to index
      %get3A_815 = arith.constant 48 : index
      %get3A_816 = tpu.vector_load %arg4[%get3A_813, %get3A_814, %get3A_815] {strides = array<i32>} : memref<16x16x128xi32, #tpu.memory_space<vmem>>, vector<1x1x16xi32>,
      %get3A_817 = vector.shape_cast %get3A_816 : vector<1x1x16xi32> to vector<16xi32>
      %ne3A_818 = arith.constant -1 : i32
      %ne3A_819 = vector.broadcast %ne3A_818 : i32 to vector<16xi32>
      %ne3A_820 = arith.cmpi ne, %get3A_817, %ne3A_819 : vector<16xi32>
      %jit3A_821 = arith.constant 1 : i32
      %jit3A_822 = arith.constant 0 : i32
      %broadcast_in_dim3A_823 = vector.broadcast %jit3A_821 : i32 to vector<16xi32>
      %broadcast_in_dim3A_824 = vector.broadcast %jit3A_822 : i32 to vector<16xi32>
      %select_n3A_825 = arith.select %ne3A_820, %broadcast_in_dim3A_823, %broadcast_in_dim3A_824 : vector<16xi1>, vector<16xi32>
      %or3A_826 = arith.ori %or3A_811, %select_n3A_825 : vector<16xi32>
      %get3A_827 = arith.constant 3 : i32
      %get3A_828 = arith.index_cast %scan3A_40 : i32 to index
      %get3A_829 = arith.index_cast %get3A_827 : i32 to index
      %get3A_830 = arith.constant 48 : index
      %get3A_831 = tpu.vector_load %arg4[%get3A_828, %get3A_829, %get3A_830] {strides = array<i32>} : memref<16x16x128xi32, #tpu.memory_space<vmem>>, vector<1x1x16xi32>,
      %get3A_832 = vector.shape_cast %get3A_831 : vector<1x1x16xi32> to vector<16xi32>
      %ne3A_833 = arith.constant -1 : i32
      %ne3A_834 = vector.broadcast %ne3A_833 : i32 to vector<16xi32>
      %ne3A_835 = arith.cmpi ne, %get3A_832, %ne3A_834 : vector<16xi32>
      %jit3A_836 = arith.constant 1 : i32
      %jit3A_837 = arith.constant 0 : i32
      %broadcast_in_dim3A_838 = vector.broadcast %jit3A_836 : i32 to vector<16xi32>
      %broadcast_in_dim3A_839 = vector.broadcast %jit3A_837 : i32 to vector<16xi32>
      %select_n3A_840 = arith.select %ne3A_835, %broadcast_in_dim3A_838, %broadcast_in_dim3A_839 : vector<16xi1>, vector<16xi32>
      %or3A_841 = arith.ori %or3A_826, %select_n3A_840 : vector<16xi32>
      %get3A_842 = arith.constant 4 : i32
      %get3A_843 = arith.index_cast %scan3A_40 : i32 to index
      %get3A_844 = arith.index_cast %get3A_842 : i32 to index
      %get3A_845 = arith.constant 48 : index
      %get3A_846 = tpu.vector_load %arg4[%get3A_843, %get3A_844, %get3A_845] {strides = array<i32>} : memref<16x16x128xi32, #tpu.memory_space<vmem>>, vector<1x1x16xi32>,
      %get3A_847 = vector.shape_cast %get3A_846 : vector<1x1x16xi32> to vector<16xi32>
      %ne3A_848 = arith.constant -1 : i32
      %ne3A_849 = vector.broadcast %ne3A_848 : i32 to vector<16xi32>
      %ne3A_850 = arith.cmpi ne, %get3A_847, %ne3A_849 : vector<16xi32>
      %jit3A_851 = arith.constant 1 : i32
      %jit3A_852 = arith.constant 0 : i32
      %broadcast_in_dim3A_853 = vector.broadcast %jit3A_851 : i32 to vector<16xi32>
      %broadcast_in_dim3A_854 = vector.broadcast %jit3A_852 : i32 to vector<16xi32>
      %select_n3A_855 = arith.select %ne3A_850, %broadcast_in_dim3A_853, %broadcast_in_dim3A_854 : vector<16xi1>, vector<16xi32>
      %or3A_856 = arith.ori %or3A_841, %select_n3A_855 : vector<16xi32>
      %get3A_857 = arith.constant 5 : i32
      %get3A_858 = arith.index_cast %scan3A_40 : i32 to index
      %get3A_859 = arith.index_cast %get3A_857 : i32 to index
      %get3A_860 = arith.constant 48 : index
      %get3A_861 = tpu.vector_load %arg4[%get3A_858, %get3A_859, %get3A_860] {strides = array<i32>} : memref<16x16x128xi32, #tpu.memory_space<vmem>>, vector<1x1x16xi32>,
      %get3A_862 = vector.shape_cast %get3A_861 : vector<1x1x16xi32> to vector<16xi32>
      %ne3A_863 = arith.constant -1 : i32
      %ne3A_864 = vector.broadcast %ne3A_863 : i32 to vector<16xi32>
      %ne3A_865 = arith.cmpi ne, %get3A_862, %ne3A_864 : vector<16xi32>
      %jit3A_866 = arith.constant 1 : i32
      %jit3A_867 = arith.constant 0 : i32
      %broadcast_in_dim3A_868 = vector.broadcast %jit3A_866 : i32 to vector<16xi32>
      %broadcast_in_dim3A_869 = vector.broadcast %jit3A_867 : i32 to vector<16xi32>
      %select_n3A_870 = arith.select %ne3A_865, %broadcast_in_dim3A_868, %broadcast_in_dim3A_869 : vector<16xi1>, vector<16xi32>
      %or3A_871 = arith.ori %or3A_856, %select_n3A_870 : vector<16xi32>
      %get3A_872 = arith.constant 6 : i32
      %get3A_873 = arith.index_cast %scan3A_40 : i32 to index
      %get3A_874 = arith.index_cast %get3A_872 : i32 to index
      %get3A_875 = arith.constant 48 : index
      %get3A_876 = tpu.vector_load %arg4[%get3A_873, %get3A_874, %get3A_875] {strides = array<i32>} : memref<16x16x128xi32, #tpu.memory_space<vmem>>, vector<1x1x16xi32>,
      %get3A_877 = vector.shape_cast %get3A_876 : vector<1x1x16xi32> to vector<16xi32>
      %ne3A_878 = arith.constant -1 : i32
      %ne3A_879 = vector.broadcast %ne3A_878 : i32 to vector<16xi32>
      %ne3A_880 = arith.cmpi ne, %get3A_877, %ne3A_879 : vector<16xi32>
      %jit3A_881 = arith.constant 1 : i32
      %jit3A_882 = arith.constant 0 : i32
      %broadcast_in_dim3A_883 = vector.broadcast %jit3A_881 : i32 to vector<16xi32>
      %broadcast_in_dim3A_884 = vector.broadcast %jit3A_882 : i32 to vector<16xi32>
      %select_n3A_885 = arith.select %ne3A_880, %broadcast_in_dim3A_883, %broadcast_in_dim3A_884 : vector<16xi1>, vector<16xi32>
      %or3A_886 = arith.ori %or3A_871, %select_n3A_885 : vector<16xi32>
      %get3A_887 = arith.constant 7 : i32
      %get3A_888 = arith.index_cast %scan3A_40 : i32 to index
      %get3A_889 = arith.index_cast %get3A_887 : i32 to index
      %get3A_890 = arith.constant 48 : index
      %get3A_891 = tpu.vector_load %arg4[%get3A_888, %get3A_889, %get3A_890] {strides = array<i32>} : memref<16x16x128xi32, #tpu.memory_space<vmem>>, vector<1x1x16xi32>,
      %get3A_892 = vector.shape_cast %get3A_891 : vector<1x1x16xi32> to vector<16xi32>
      %ne3A_893 = arith.constant -1 : i32
      %ne3A_894 = vector.broadcast %ne3A_893 : i32 to vector<16xi32>
      %ne3A_895 = arith.cmpi ne, %get3A_892, %ne3A_894 : vector<16xi32>
      %jit3A_896 = arith.constant 1 : i32
      %jit3A_897 = arith.constant 0 : i32
      %broadcast_in_dim3A_898 = vector.broadcast %jit3A_896 : i32 to vector<16xi32>
      %broadcast_in_dim3A_899 = vector.broadcast %jit3A_897 : i32 to vector<16xi32>
      %select_n3A_900 = arith.select %ne3A_895, %broadcast_in_dim3A_898, %broadcast_in_dim3A_899 : vector<16xi1>, vector<16xi32>
      %or3A_901 = arith.ori %or3A_886, %select_n3A_900 : vector<16xi32>
      %get3A_902 = arith.constant 8 : i32
      %get3A_903 = arith.index_cast %scan3A_40 : i32 to index
      %get3A_904 = arith.index_cast %get3A_902 : i32 to index
      %get3A_905 = arith.constant 48 : index
      %get3A_906 = tpu.vector_load %arg4[%get3A_903, %get3A_904, %get3A_905] {strides = array<i32>} : memref<16x16x128xi32, #tpu.memory_space<vmem>>, vector<1x1x16xi32>,
      %get3A_907 = vector.shape_cast %get3A_906 : vector<1x1x16xi32> to vector<16xi32>
      %ne3A_908 = arith.constant -1 : i32
      %ne3A_909 = vector.broadcast %ne3A_908 : i32 to vector<16xi32>
      %ne3A_910 = arith.cmpi ne, %get3A_907, %ne3A_909 : vector<16xi32>
      %jit3A_911 = arith.constant 1 : i32
      %jit3A_912 = arith.constant 0 : i32
      %broadcast_in_dim3A_913 = vector.broadcast %jit3A_911 : i32 to vector<16xi32>
      %broadcast_in_dim3A_914 = vector.broadcast %jit3A_912 : i32 to vector<16xi32>
      %select_n3A_915 = arith.select %ne3A_910, %broadcast_in_dim3A_913, %broadcast_in_dim3A_914 : vector<16xi1>, vector<16xi32>
      %or3A_916 = arith.ori %or3A_901, %select_n3A_915 : vector<16xi32>
      %get3A_917 = arith.constant 9 : i32
      %get3A_918 = arith.index_cast %scan3A_40 : i32 to index
      %get3A_919 = arith.index_cast %get3A_917 : i32 to index
      %get3A_920 = arith.constant 48 : index
      %get3A_921 = tpu.vector_load %arg4[%get3A_918, %get3A_919, %get3A_920] {strides = array<i32>} : memref<16x16x128xi32, #tpu.memory_space<vmem>>, vector<1x1x16xi32>,
      %get3A_922 = vector.shape_cast %get3A_921 : vector<1x1x16xi32> to vector<16xi32>
      %ne3A_923 = arith.constant -1 : i32
      %ne3A_924 = vector.broadcast %ne3A_923 : i32 to vector<16xi32>
      %ne3A_925 = arith.cmpi ne, %get3A_922, %ne3A_924 : vector<16xi32>
      %jit3A_926 = arith.constant 1 : i32
      %jit3A_927 = arith.constant 0 : i32
      %broadcast_in_dim3A_928 = vector.broadcast %jit3A_926 : i32 to vector<16xi32>
      %broadcast_in_dim3A_929 = vector.broadcast %jit3A_927 : i32 to vector<16xi32>
      %select_n3A_930 = arith.select %ne3A_925, %broadcast_in_dim3A_928, %broadcast_in_dim3A_929 : vector<16xi1>, vector<16xi32>
      %or3A_931 = arith.ori %or3A_916, %select_n3A_930 : vector<16xi32>
      %get3A_932 = arith.constant 10 : i32
      %get3A_933 = arith.index_cast %scan3A_40 : i32 to index
      %get3A_934 = arith.index_cast %get3A_932 : i32 to index
      %get3A_935 = arith.constant 48 : index
      %get3A_936 = tpu.vector_load %arg4[%get3A_933, %get3A_934, %get3A_935] {strides = array<i32>} : memref<16x16x128xi32, #tpu.memory_space<vmem>>, vector<1x1x16xi32>,
      %get3A_937 = vector.shape_cast %get3A_936 : vector<1x1x16xi32> to vector<16xi32>
      %ne3A_938 = arith.constant -1 : i32
      %ne3A_939 = vector.broadcast %ne3A_938 : i32 to vector<16xi32>
      %ne3A_940 = arith.cmpi ne, %get3A_937, %ne3A_939 : vector<16xi32>
      %jit3A_941 = arith.constant 1 : i32
      %jit3A_942 = arith.constant 0 : i32
      %broadcast_in_dim3A_943 = vector.broadcast %jit3A_941 : i32 to vector<16xi32>
      %broadcast_in_dim3A_944 = vector.broadcast %jit3A_942 : i32 to vector<16xi32>
      %select_n3A_945 = arith.select %ne3A_940, %broadcast_in_dim3A_943, %broadcast_in_dim3A_944 : vector<16xi1>, vector<16xi32>
      %or3A_946 = arith.ori %or3A_931, %select_n3A_945 : vector<16xi32>
      %get3A_947 = arith.constant 11 : i32
      %get3A_948 = arith.index_cast %scan3A_40 : i32 to index
      %get3A_949 = arith.index_cast %get3A_947 : i32 to index
      %get3A_950 = arith.constant 48 : index
      %get3A_951 = tpu.vector_load %arg4[%get3A_948, %get3A_949, %get3A_950] {strides = array<i32>} : memref<16x16x128xi32, #tpu.memory_space<vmem>>, vector<1x1x16xi32>,
      %get3A_952 = vector.shape_cast %get3A_951 : vector<1x1x16xi32> to vector<16xi32>
      %ne3A_953 = arith.constant -1 : i32
      %ne3A_954 = vector.broadcast %ne3A_953 : i32 to vector<16xi32>
      %ne3A_955 = arith.cmpi ne, %get3A_952, %ne3A_954 : vector<16xi32>
      %jit3A_956 = arith.constant 1 : i32
      %jit3A_957 = arith.constant 0 : i32
      %broadcast_in_dim3A_958 = vector.broadcast %jit3A_956 : i32 to vector<16xi32>
      %broadcast_in_dim3A_959 = vector.broadcast %jit3A_957 : i32 to vector<16xi32>
      %select_n3A_960 = arith.select %ne3A_955, %broadcast_in_dim3A_958, %broadcast_in_dim3A_959 : vector<16xi1>, vector<16xi32>
      %or3A_961 = arith.ori %or3A_946, %select_n3A_960 : vector<16xi32>
      %get3A_962 = arith.constant 12 : i32
      %get3A_963 = arith.index_cast %scan3A_40 : i32 to index
      %get3A_964 = arith.index_cast %get3A_962 : i32 to index
      %get3A_965 = arith.constant 48 : index
      %get3A_966 = tpu.vector_load %arg4[%get3A_963, %get3A_964, %get3A_965] {strides = array<i32>} : memref<16x16x128xi32, #tpu.memory_space<vmem>>, vector<1x1x16xi32>,
      %get3A_967 = vector.shape_cast %get3A_966 : vector<1x1x16xi32> to vector<16xi32>
      %ne3A_968 = arith.constant -1 : i32
      %ne3A_969 = vector.broadcast %ne3A_968 : i32 to vector<16xi32>
      %ne3A_970 = arith.cmpi ne, %get3A_967, %ne3A_969 : vector<16xi32>
      %jit3A_971 = arith.constant 1 : i32
      %jit3A_972 = arith.constant 0 : i32
      %broadcast_in_dim3A_973 = vector.broadcast %jit3A_971 : i32 to vector<16xi32>
      %broadcast_in_dim3A_974 = vector.broadcast %jit3A_972 : i32 to vector<16xi32>
      %select_n3A_975 = arith.select %ne3A_970, %broadcast_in_dim3A_973, %broadcast_in_dim3A_974 : vector<16xi1>, vector<16xi32>
      %or3A_976 = arith.ori %or3A_961, %select_n3A_975 : vector<16xi32>
      %get3A_977 = arith.constant 13 : i32
      %get3A_978 = arith.index_cast %scan3A_40 : i32 to index
      %get3A_979 = arith.index_cast %get3A_977 : i32 to index
      %get3A_980 = arith.constant 48 : index
      %get3A_981 = tpu.vector_load %arg4[%get3A_978, %get3A_979, %get3A_980] {strides = array<i32>} : memref<16x16x128xi32, #tpu.memory_space<vmem>>, vector<1x1x16xi32>,
      %get3A_982 = vector.shape_cast %get3A_981 : vector<1x1x16xi32> to vector<16xi32>
      %ne3A_983 = arith.constant -1 : i32
      %ne3A_984 = vector.broadcast %ne3A_983 : i32 to vector<16xi32>
      %ne3A_985 = arith.cmpi ne, %get3A_982, %ne3A_984 : vector<16xi32>
      %jit3A_986 = arith.constant 1 : i32
      %jit3A_987 = arith.constant 0 : i32
      %broadcast_in_dim3A_988 = vector.broadcast %jit3A_986 : i32 to vector<16xi32>
      %broadcast_in_dim3A_989 = vector.broadcast %jit3A_987 : i32 to vector<16xi32>
      %select_n3A_990 = arith.select %ne3A_985, %broadcast_in_dim3A_988, %broadcast_in_dim3A_989 : vector<16xi1>, vector<16xi32>
      %or3A_991 = arith.ori %or3A_976, %select_n3A_990 : vector<16xi32>
      %get3A_992 = arith.constant 14 : i32
      %get3A_993 = arith.index_cast %scan3A_40 : i32 to index
      %get3A_994 = arith.index_cast %get3A_992 : i32 to index
      %get3A_995 = arith.constant 48 : index
      %get3A_996 = tpu.vector_load %arg4[%get3A_993, %get3A_994, %get3A_995] {strides = array<i32>} : memref<16x16x128xi32, #tpu.memory_space<vmem>>, vector<1x1x16xi32>,
      %get3A_997 = vector.shape_cast %get3A_996 : vector<1x1x16xi32> to vector<16xi32>
      %ne3A_998 = arith.constant -1 : i32
      %ne3A_999 = vector.broadcast %ne3A_998 : i32 to vector<16xi32>
      %ne3A_1000 = arith.cmpi ne, %get3A_997, %ne3A_999 : vector<16xi32>
      %jit3A_1001 = arith.constant 1 : i32
      %jit3A_1002 = arith.constant 0 : i32
      %broadcast_in_dim3A_1003 = vector.broadcast %jit3A_1001 : i32 to vector<16xi32>
      %broadcast_in_dim3A_1004 = vector.broadcast %jit3A_1002 : i32 to vector<16xi32>
      %select_n3A_1005 = arith.select %ne3A_1000, %broadcast_in_dim3A_1003, %broadcast_in_dim3A_1004 : vector<16xi1>, vector<16xi32>
      %or3A_1006 = arith.ori %or3A_991, %select_n3A_1005 : vector<16xi32>
      %get3A_1007 = arith.constant 15 : i32
      %get3A_1008 = arith.index_cast %scan3A_40 : i32 to index
      %get3A_1009 = arith.index_cast %get3A_1007 : i32 to index
      %get3A_1010 = arith.constant 48 : index
      %get3A_1011 = tpu.vector_load %arg4[%get3A_1008, %get3A_1009, %get3A_1010] {strides = array<i32>} : memref<16x16x128xi32, #tpu.memory_space<vmem>>, vector<1x1x16xi32>,
      %get3A_1012 = vector.shape_cast %get3A_1011 : vector<1x1x16xi32> to vector<16xi32>
      %ne3A_1013 = arith.constant -1 : i32
      %ne3A_1014 = vector.broadcast %ne3A_1013 : i32 to vector<16xi32>
      %ne3A_1015 = arith.cmpi ne, %get3A_1012, %ne3A_1014 : vector<16xi32>
      %jit3A_1016 = arith.constant 1 : i32
      %jit3A_1017 = arith.constant 0 : i32
      %broadcast_in_dim3A_1018 = vector.broadcast %jit3A_1016 : i32 to vector<16xi32>
      %broadcast_in_dim3A_1019 = vector.broadcast %jit3A_1017 : i32 to vector<16xi32>
      %select_n3A_1020 = arith.select %ne3A_1015, %broadcast_in_dim3A_1018, %broadcast_in_dim3A_1019 : vector<16xi1>, vector<16xi32>
      %or3A_1021 = arith.ori %or3A_1006, %select_n3A_1020 : vector<16xi32>
      %convert_element_type3A_1022 = arith.sitofp %or3A_1021 : vector<16xi32> to vector<16xf32>
      %swap3A_1023 = arith.index_cast %scan3A_40 : i32 to index
      %swap3A_1024 = arith.constant 48 : index
      %swap3A_1025 = tpu.vector_load %arg5[%swap3A_1023, %swap3A_1024] {strides = array<i32>} : memref<16x128xf32, #tpu.memory_space<vmem>>, vector<1x16xf32>,
      %swap3A_1026 = vector.shape_cast %swap3A_1025 : vector<1x16xf32> to vector<16xf32>
      %swap3A_1027 = vector.shape_cast %convert_element_type3A_1022 : vector<16xf32> to vector<1x16xf32>
      tpu.vector_store %arg5[%swap3A_1023, %swap3A_1024], %swap3A_1027 {strides = array<i32>} : memref<16x128xf32, #tpu.memory_space<vmem>>, vector<1x16xf32>,
      %broadcast_in_dim3A_1028 = arith.constant 0 : i32
      %broadcast_in_dim3A_1029 = vector.broadcast %broadcast_in_dim3A_1028 : i32 to vector<16xi32>
      %get3A_1030 = arith.constant 0 : i32
      %get3A_1031 = arith.index_cast %scan3A_40 : i32 to index
      %get3A_1032 = arith.index_cast %get3A_1030 : i32 to index
      %get3A_1033 = arith.constant 64 : index
      %get3A_1034 = tpu.vector_load %arg4[%get3A_1031, %get3A_1032, %get3A_1033] {strides = array<i32>} : memref<16x16x128xi32, #tpu.memory_space<vmem>>, vector<1x1x16xi32>,
      %get3A_1035 = vector.shape_cast %get3A_1034 : vector<1x1x16xi32> to vector<16xi32>
      %ne3A_1036 = arith.constant -1 : i32
      %ne3A_1037 = vector.broadcast %ne3A_1036 : i32 to vector<16xi32>
      %ne3A_1038 = arith.cmpi ne, %get3A_1035, %ne3A_1037 : vector<16xi32>
      %jit3A_1039 = arith.constant 1 : i32
      %jit3A_1040 = arith.constant 0 : i32
      %broadcast_in_dim3A_1041 = vector.broadcast %jit3A_1039 : i32 to vector<16xi32>
      %broadcast_in_dim3A_1042 = vector.broadcast %jit3A_1040 : i32 to vector<16xi32>
      %select_n3A_1043 = arith.select %ne3A_1038, %broadcast_in_dim3A_1041, %broadcast_in_dim3A_1042 : vector<16xi1>, vector<16xi32>
      %or3A_1044 = arith.ori %broadcast_in_dim3A_1029, %select_n3A_1043 : vector<16xi32>
      %get3A_1045 = arith.constant 1 : i32
      %get3A_1046 = arith.index_cast %scan3A_40 : i32 to index
      %get3A_1047 = arith.index_cast %get3A_1045 : i32 to index
      %get3A_1048 = arith.constant 64 : index
      %get3A_1049 = tpu.vector_load %arg4[%get3A_1046, %get3A_1047, %get3A_1048] {strides = array<i32>} : memref<16x16x128xi32, #tpu.memory_space<vmem>>, vector<1x1x16xi32>,
      %get3A_1050 = vector.shape_cast %get3A_1049 : vector<1x1x16xi32> to vector<16xi32>
      %ne3A_1051 = arith.constant -1 : i32
      %ne3A_1052 = vector.broadcast %ne3A_1051 : i32 to vector<16xi32>
      %ne3A_1053 = arith.cmpi ne, %get3A_1050, %ne3A_1052 : vector<16xi32>
      %jit3A_1054 = arith.constant 1 : i32
      %jit3A_1055 = arith.constant 0 : i32
      %broadcast_in_dim3A_1056 = vector.broadcast %jit3A_1054 : i32 to vector<16xi32>
      %broadcast_in_dim3A_1057 = vector.broadcast %jit3A_1055 : i32 to vector<16xi32>
      %select_n3A_1058 = arith.select %ne3A_1053, %broadcast_in_dim3A_1056, %broadcast_in_dim3A_1057 : vector<16xi1>, vector<16xi32>
      %or3A_1059 = arith.ori %or3A_1044, %select_n3A_1058 : vector<16xi32>
      %get3A_1060 = arith.constant 2 : i32
      %get3A_1061 = arith.index_cast %scan3A_40 : i32 to index
      %get3A_1062 = arith.index_cast %get3A_1060 : i32 to index
      %get3A_1063 = arith.constant 64 : index
      %get3A_1064 = tpu.vector_load %arg4[%get3A_1061, %get3A_1062, %get3A_1063] {strides = array<i32>} : memref<16x16x128xi32, #tpu.memory_space<vmem>>, vector<1x1x16xi32>,
      %get3A_1065 = vector.shape_cast %get3A_1064 : vector<1x1x16xi32> to vector<16xi32>
      %ne3A_1066 = arith.constant -1 : i32
      %ne3A_1067 = vector.broadcast %ne3A_1066 : i32 to vector<16xi32>
      %ne3A_1068 = arith.cmpi ne, %get3A_1065, %ne3A_1067 : vector<16xi32>
      %jit3A_1069 = arith.constant 1 : i32
      %jit3A_1070 = arith.constant 0 : i32
      %broadcast_in_dim3A_1071 = vector.broadcast %jit3A_1069 : i32 to vector<16xi32>
      %broadcast_in_dim3A_1072 = vector.broadcast %jit3A_1070 : i32 to vector<16xi32>
      %select_n3A_1073 = arith.select %ne3A_1068, %broadcast_in_dim3A_1071, %broadcast_in_dim3A_1072 : vector<16xi1>, vector<16xi32>
      %or3A_1074 = arith.ori %or3A_1059, %select_n3A_1073 : vector<16xi32>
      %get3A_1075 = arith.constant 3 : i32
      %get3A_1076 = arith.index_cast %scan3A_40 : i32 to index
      %get3A_1077 = arith.index_cast %get3A_1075 : i32 to index
      %get3A_1078 = arith.constant 64 : index
      %get3A_1079 = tpu.vector_load %arg4[%get3A_1076, %get3A_1077, %get3A_1078] {strides = array<i32>} : memref<16x16x128xi32, #tpu.memory_space<vmem>>, vector<1x1x16xi32>,
      %get3A_1080 = vector.shape_cast %get3A_1079 : vector<1x1x16xi32> to vector<16xi32>
      %ne3A_1081 = arith.constant -1 : i32
      %ne3A_1082 = vector.broadcast %ne3A_1081 : i32 to vector<16xi32>
      %ne3A_1083 = arith.cmpi ne, %get3A_1080, %ne3A_1082 : vector<16xi32>
      %jit3A_1084 = arith.constant 1 : i32
      %jit3A_1085 = arith.constant 0 : i32
      %broadcast_in_dim3A_1086 = vector.broadcast %jit3A_1084 : i32 to vector<16xi32>
      %broadcast_in_dim3A_1087 = vector.broadcast %jit3A_1085 : i32 to vector<16xi32>
      %select_n3A_1088 = arith.select %ne3A_1083, %broadcast_in_dim3A_1086, %broadcast_in_dim3A_1087 : vector<16xi1>, vector<16xi32>
      %or3A_1089 = arith.ori %or3A_1074, %select_n3A_1088 : vector<16xi32>
      %get3A_1090 = arith.constant 4 : i32
      %get3A_1091 = arith.index_cast %scan3A_40 : i32 to index
      %get3A_1092 = arith.index_cast %get3A_1090 : i32 to index
      %get3A_1093 = arith.constant 64 : index
      %get3A_1094 = tpu.vector_load %arg4[%get3A_1091, %get3A_1092, %get3A_1093] {strides = array<i32>} : memref<16x16x128xi32, #tpu.memory_space<vmem>>, vector<1x1x16xi32>,
      %get3A_1095 = vector.shape_cast %get3A_1094 : vector<1x1x16xi32> to vector<16xi32>
      %ne3A_1096 = arith.constant -1 : i32
      %ne3A_1097 = vector.broadcast %ne3A_1096 : i32 to vector<16xi32>
      %ne3A_1098 = arith.cmpi ne, %get3A_1095, %ne3A_1097 : vector<16xi32>
      %jit3A_1099 = arith.constant 1 : i32
      %jit3A_1100 = arith.constant 0 : i32
      %broadcast_in_dim3A_1101 = vector.broadcast %jit3A_1099 : i32 to vector<16xi32>
      %broadcast_in_dim3A_1102 = vector.broadcast %jit3A_1100 : i32 to vector<16xi32>
      %select_n3A_1103 = arith.select %ne3A_1098, %broadcast_in_dim3A_1101, %broadcast_in_dim3A_1102 : vector<16xi1>, vector<16xi32>
      %or3A_1104 = arith.ori %or3A_1089, %select_n3A_1103 : vector<16xi32>
      %get3A_1105 = arith.constant 5 : i32
      %get3A_1106 = arith.index_cast %scan3A_40 : i32 to index
      %get3A_1107 = arith.index_cast %get3A_1105 : i32 to index
      %get3A_1108 = arith.constant 64 : index
      %get3A_1109 = tpu.vector_load %arg4[%get3A_1106, %get3A_1107, %get3A_1108] {strides = array<i32>} : memref<16x16x128xi32, #tpu.memory_space<vmem>>, vector<1x1x16xi32>,
      %get3A_1110 = vector.shape_cast %get3A_1109 : vector<1x1x16xi32> to vector<16xi32>
      %ne3A_1111 = arith.constant -1 : i32
      %ne3A_1112 = vector.broadcast %ne3A_1111 : i32 to vector<16xi32>
      %ne3A_1113 = arith.cmpi ne, %get3A_1110, %ne3A_1112 : vector<16xi32>
      %jit3A_1114 = arith.constant 1 : i32
      %jit3A_1115 = arith.constant 0 : i32
      %broadcast_in_dim3A_1116 = vector.broadcast %jit3A_1114 : i32 to vector<16xi32>
      %broadcast_in_dim3A_1117 = vector.broadcast %jit3A_1115 : i32 to vector<16xi32>
      %select_n3A_1118 = arith.select %ne3A_1113, %broadcast_in_dim3A_1116, %broadcast_in_dim3A_1117 : vector<16xi1>, vector<16xi32>
      %or3A_1119 = arith.ori %or3A_1104, %select_n3A_1118 : vector<16xi32>
      %get3A_1120 = arith.constant 6 : i32
      %get3A_1121 = arith.index_cast %scan3A_40 : i32 to index
      %get3A_1122 = arith.index_cast %get3A_1120 : i32 to index
      %get3A_1123 = arith.constant 64 : index
      %get3A_1124 = tpu.vector_load %arg4[%get3A_1121, %get3A_1122, %get3A_1123] {strides = array<i32>} : memref<16x16x128xi32, #tpu.memory_space<vmem>>, vector<1x1x16xi32>,
      %get3A_1125 = vector.shape_cast %get3A_1124 : vector<1x1x16xi32> to vector<16xi32>
      %ne3A_1126 = arith.constant -1 : i32
      %ne3A_1127 = vector.broadcast %ne3A_1126 : i32 to vector<16xi32>
      %ne3A_1128 = arith.cmpi ne, %get3A_1125, %ne3A_1127 : vector<16xi32>
      %jit3A_1129 = arith.constant 1 : i32
      %jit3A_1130 = arith.constant 0 : i32
      %broadcast_in_dim3A_1131 = vector.broadcast %jit3A_1129 : i32 to vector<16xi32>
      %broadcast_in_dim3A_1132 = vector.broadcast %jit3A_1130 : i32 to vector<16xi32>
      %select_n3A_1133 = arith.select %ne3A_1128, %broadcast_in_dim3A_1131, %broadcast_in_dim3A_1132 : vector<16xi1>, vector<16xi32>
      %or3A_1134 = arith.ori %or3A_1119, %select_n3A_1133 : vector<16xi32>
      %get3A_1135 = arith.constant 7 : i32
      %get3A_1136 = arith.index_cast %scan3A_40 : i32 to index
      %get3A_1137 = arith.index_cast %get3A_1135 : i32 to index
      %get3A_1138 = arith.constant 64 : index
      %get3A_1139 = tpu.vector_load %arg4[%get3A_1136, %get3A_1137, %get3A_1138] {strides = array<i32>} : memref<16x16x128xi32, #tpu.memory_space<vmem>>, vector<1x1x16xi32>,
      %get3A_1140 = vector.shape_cast %get3A_1139 : vector<1x1x16xi32> to vector<16xi32>
      %ne3A_1141 = arith.constant -1 : i32
      %ne3A_1142 = vector.broadcast %ne3A_1141 : i32 to vector<16xi32>
      %ne3A_1143 = arith.cmpi ne, %get3A_1140, %ne3A_1142 : vector<16xi32>
      %jit3A_1144 = arith.constant 1 : i32
      %jit3A_1145 = arith.constant 0 : i32
      %broadcast_in_dim3A_1146 = vector.broadcast %jit3A_1144 : i32 to vector<16xi32>
      %broadcast_in_dim3A_1147 = vector.broadcast %jit3A_1145 : i32 to vector<16xi32>
      %select_n3A_1148 = arith.select %ne3A_1143, %broadcast_in_dim3A_1146, %broadcast_in_dim3A_1147 : vector<16xi1>, vector<16xi32>
      %or3A_1149 = arith.ori %or3A_1134, %select_n3A_1148 : vector<16xi32>
      %get3A_1150 = arith.constant 8 : i32
      %get3A_1151 = arith.index_cast %scan3A_40 : i32 to index
      %get3A_1152 = arith.index_cast %get3A_1150 : i32 to index
      %get3A_1153 = arith.constant 64 : index
      %get3A_1154 = tpu.vector_load %arg4[%get3A_1151, %get3A_1152, %get3A_1153] {strides = array<i32>} : memref<16x16x128xi32, #tpu.memory_space<vmem>>, vector<1x1x16xi32>,
      %get3A_1155 = vector.shape_cast %get3A_1154 : vector<1x1x16xi32> to vector<16xi32>
      %ne3A_1156 = arith.constant -1 : i32
      %ne3A_1157 = vector.broadcast %ne3A_1156 : i32 to vector<16xi32>
      %ne3A_1158 = arith.cmpi ne, %get3A_1155, %ne3A_1157 : vector<16xi32>
      %jit3A_1159 = arith.constant 1 : i32
      %jit3A_1160 = arith.constant 0 : i32
      %broadcast_in_dim3A_1161 = vector.broadcast %jit3A_1159 : i32 to vector<16xi32>
      %broadcast_in_dim3A_1162 = vector.broadcast %jit3A_1160 : i32 to vector<16xi32>
      %select_n3A_1163 = arith.select %ne3A_1158, %broadcast_in_dim3A_1161, %broadcast_in_dim3A_1162 : vector<16xi1>, vector<16xi32>
      %or3A_1164 = arith.ori %or3A_1149, %select_n3A_1163 : vector<16xi32>
      %get3A_1165 = arith.constant 9 : i32
      %get3A_1166 = arith.index_cast %scan3A_40 : i32 to index
      %get3A_1167 = arith.index_cast %get3A_1165 : i32 to index
      %get3A_1168 = arith.constant 64 : index
      %get3A_1169 = tpu.vector_load %arg4[%get3A_1166, %get3A_1167, %get3A_1168] {strides = array<i32>} : memref<16x16x128xi32, #tpu.memory_space<vmem>>, vector<1x1x16xi32>,
      %get3A_1170 = vector.shape_cast %get3A_1169 : vector<1x1x16xi32> to vector<16xi32>
      %ne3A_1171 = arith.constant -1 : i32
      %ne3A_1172 = vector.broadcast %ne3A_1171 : i32 to vector<16xi32>
      %ne3A_1173 = arith.cmpi ne, %get3A_1170, %ne3A_1172 : vector<16xi32>
      %jit3A_1174 = arith.constant 1 : i32
      %jit3A_1175 = arith.constant 0 : i32
      %broadcast_in_dim3A_1176 = vector.broadcast %jit3A_1174 : i32 to vector<16xi32>
      %broadcast_in_dim3A_1177 = vector.broadcast %jit3A_1175 : i32 to vector<16xi32>
      %select_n3A_1178 = arith.select %ne3A_1173, %broadcast_in_dim3A_1176, %broadcast_in_dim3A_1177 : vector<16xi1>, vector<16xi32>
      %or3A_1179 = arith.ori %or3A_1164, %select_n3A_1178 : vector<16xi32>
      %get3A_1180 = arith.constant 10 : i32
      %get3A_1181 = arith.index_cast %scan3A_40 : i32 to index
      %get3A_1182 = arith.index_cast %get3A_1180 : i32 to index
      %get3A_1183 = arith.constant 64 : index
      %get3A_1184 = tpu.vector_load %arg4[%get3A_1181, %get3A_1182, %get3A_1183] {strides = array<i32>} : memref<16x16x128xi32, #tpu.memory_space<vmem>>, vector<1x1x16xi32>,
      %get3A_1185 = vector.shape_cast %get3A_1184 : vector<1x1x16xi32> to vector<16xi32>
      %ne3A_1186 = arith.constant -1 : i32
      %ne3A_1187 = vector.broadcast %ne3A_1186 : i32 to vector<16xi32>
      %ne3A_1188 = arith.cmpi ne, %get3A_1185, %ne3A_1187 : vector<16xi32>
      %jit3A_1189 = arith.constant 1 : i32
      %jit3A_1190 = arith.constant 0 : i32
      %broadcast_in_dim3A_1191 = vector.broadcast %jit3A_1189 : i32 to vector<16xi32>
      %broadcast_in_dim3A_1192 = vector.broadcast %jit3A_1190 : i32 to vector<16xi32>
      %select_n3A_1193 = arith.select %ne3A_1188, %broadcast_in_dim3A_1191, %broadcast_in_dim3A_1192 : vector<16xi1>, vector<16xi32>
      %or3A_1194 = arith.ori %or3A_1179, %select_n3A_1193 : vector<16xi32>
      %get3A_1195 = arith.constant 11 : i32
      %get3A_1196 = arith.index_cast %scan3A_40 : i32 to index
      %get3A_1197 = arith.index_cast %get3A_1195 : i32 to index
      %get3A_1198 = arith.constant 64 : index
      %get3A_1199 = tpu.vector_load %arg4[%get3A_1196, %get3A_1197, %get3A_1198] {strides = array<i32>} : memref<16x16x128xi32, #tpu.memory_space<vmem>>, vector<1x1x16xi32>,
      %get3A_1200 = vector.shape_cast %get3A_1199 : vector<1x1x16xi32> to vector<16xi32>
      %ne3A_1201 = arith.constant -1 : i32
      %ne3A_1202 = vector.broadcast %ne3A_1201 : i32 to vector<16xi32>
      %ne3A_1203 = arith.cmpi ne, %get3A_1200, %ne3A_1202 : vector<16xi32>
      %jit3A_1204 = arith.constant 1 : i32
      %jit3A_1205 = arith.constant 0 : i32
      %broadcast_in_dim3A_1206 = vector.broadcast %jit3A_1204 : i32 to vector<16xi32>
      %broadcast_in_dim3A_1207 = vector.broadcast %jit3A_1205 : i32 to vector<16xi32>
      %select_n3A_1208 = arith.select %ne3A_1203, %broadcast_in_dim3A_1206, %broadcast_in_dim3A_1207 : vector<16xi1>, vector<16xi32>
      %or3A_1209 = arith.ori %or3A_1194, %select_n3A_1208 : vector<16xi32>
      %get3A_1210 = arith.constant 12 : i32
      %get3A_1211 = arith.index_cast %scan3A_40 : i32 to index
      %get3A_1212 = arith.index_cast %get3A_1210 : i32 to index
      %get3A_1213 = arith.constant 64 : index
      %get3A_1214 = tpu.vector_load %arg4[%get3A_1211, %get3A_1212, %get3A_1213] {strides = array<i32>} : memref<16x16x128xi32, #tpu.memory_space<vmem>>, vector<1x1x16xi32>,
      %get3A_1215 = vector.shape_cast %get3A_1214 : vector<1x1x16xi32> to vector<16xi32>
      %ne3A_1216 = arith.constant -1 : i32
      %ne3A_1217 = vector.broadcast %ne3A_1216 : i32 to vector<16xi32>
      %ne3A_1218 = arith.cmpi ne, %get3A_1215, %ne3A_1217 : vector<16xi32>
      %jit3A_1219 = arith.constant 1 : i32
      %jit3A_1220 = arith.constant 0 : i32
      %broadcast_in_dim3A_1221 = vector.broadcast %jit3A_1219 : i32 to vector<16xi32>
      %broadcast_in_dim3A_1222 = vector.broadcast %jit3A_1220 : i32 to vector<16xi32>
      %select_n3A_1223 = arith.select %ne3A_1218, %broadcast_in_dim3A_1221, %broadcast_in_dim3A_1222 : vector<16xi1>, vector<16xi32>
      %or3A_1224 = arith.ori %or3A_1209, %select_n3A_1223 : vector<16xi32>
      %get3A_1225 = arith.constant 13 : i32
      %get3A_1226 = arith.index_cast %scan3A_40 : i32 to index
      %get3A_1227 = arith.index_cast %get3A_1225 : i32 to index
      %get3A_1228 = arith.constant 64 : index
      %get3A_1229 = tpu.vector_load %arg4[%get3A_1226, %get3A_1227, %get3A_1228] {strides = array<i32>} : memref<16x16x128xi32, #tpu.memory_space<vmem>>, vector<1x1x16xi32>,
      %get3A_1230 = vector.shape_cast %get3A_1229 : vector<1x1x16xi32> to vector<16xi32>
      %ne3A_1231 = arith.constant -1 : i32
      %ne3A_1232 = vector.broadcast %ne3A_1231 : i32 to vector<16xi32>
      %ne3A_1233 = arith.cmpi ne, %get3A_1230, %ne3A_1232 : vector<16xi32>
      %jit3A_1234 = arith.constant 1 : i32
      %jit3A_1235 = arith.constant 0 : i32
      %broadcast_in_dim3A_1236 = vector.broadcast %jit3A_1234 : i32 to vector<16xi32>
      %broadcast_in_dim3A_1237 = vector.broadcast %jit3A_1235 : i32 to vector<16xi32>
      %select_n3A_1238 = arith.select %ne3A_1233, %broadcast_in_dim3A_1236, %broadcast_in_dim3A_1237 : vector<16xi1>, vector<16xi32>
      %or3A_1239 = arith.ori %or3A_1224, %select_n3A_1238 : vector<16xi32>
      %get3A_1240 = arith.constant 14 : i32
      %get3A_1241 = arith.index_cast %scan3A_40 : i32 to index
      %get3A_1242 = arith.index_cast %get3A_1240 : i32 to index
      %get3A_1243 = arith.constant 64 : index
      %get3A_1244 = tpu.vector_load %arg4[%get3A_1241, %get3A_1242, %get3A_1243] {strides = array<i32>} : memref<16x16x128xi32, #tpu.memory_space<vmem>>, vector<1x1x16xi32>,
      %get3A_1245 = vector.shape_cast %get3A_1244 : vector<1x1x16xi32> to vector<16xi32>
      %ne3A_1246 = arith.constant -1 : i32
      %ne3A_1247 = vector.broadcast %ne3A_1246 : i32 to vector<16xi32>
      %ne3A_1248 = arith.cmpi ne, %get3A_1245, %ne3A_1247 : vector<16xi32>
      %jit3A_1249 = arith.constant 1 : i32
      %jit3A_1250 = arith.constant 0 : i32
      %broadcast_in_dim3A_1251 = vector.broadcast %jit3A_1249 : i32 to vector<16xi32>
      %broadcast_in_dim3A_1252 = vector.broadcast %jit3A_1250 : i32 to vector<16xi32>
      %select_n3A_1253 = arith.select %ne3A_1248, %broadcast_in_dim3A_1251, %broadcast_in_dim3A_1252 : vector<16xi1>, vector<16xi32>
      %or3A_1254 = arith.ori %or3A_1239, %select_n3A_1253 : vector<16xi32>
      %get3A_1255 = arith.constant 15 : i32
      %get3A_1256 = arith.index_cast %scan3A_40 : i32 to index
      %get3A_1257 = arith.index_cast %get3A_1255 : i32 to index
      %get3A_1258 = arith.constant 64 : index
      %get3A_1259 = tpu.vector_load %arg4[%get3A_1256, %get3A_1257, %get3A_1258] {strides = array<i32>} : memref<16x16x128xi32, #tpu.memory_space<vmem>>, vector<1x1x16xi32>,
      %get3A_1260 = vector.shape_cast %get3A_1259 : vector<1x1x16xi32> to vector<16xi32>
      %ne3A_1261 = arith.constant -1 : i32
      %ne3A_1262 = vector.broadcast %ne3A_1261 : i32 to vector<16xi32>
      %ne3A_1263 = arith.cmpi ne, %get3A_1260, %ne3A_1262 : vector<16xi32>
      %jit3A_1264 = arith.constant 1 : i32
      %jit3A_1265 = arith.constant 0 : i32
      %broadcast_in_dim3A_1266 = vector.broadcast %jit3A_1264 : i32 to vector<16xi32>
      %broadcast_in_dim3A_1267 = vector.broadcast %jit3A_1265 : i32 to vector<16xi32>
      %select_n3A_1268 = arith.select %ne3A_1263, %broadcast_in_dim3A_1266, %broadcast_in_dim3A_1267 : vector<16xi1>, vector<16xi32>
      %or3A_1269 = arith.ori %or3A_1254, %select_n3A_1268 : vector<16xi32>
      %convert_element_type3A_1270 = arith.sitofp %or3A_1269 : vector<16xi32> to vector<16xf32>
      %swap3A_1271 = arith.index_cast %scan3A_40 : i32 to index
      %swap3A_1272 = arith.constant 64 : index
      %swap3A_1273 = tpu.vector_load %arg5[%swap3A_1271, %swap3A_1272] {strides = array<i32>} : memref<16x128xf32, #tpu.memory_space<vmem>>, vector<1x16xf32>,
      %swap3A_1274 = vector.shape_cast %swap3A_1273 : vector<1x16xf32> to vector<16xf32>
      %swap3A_1275 = vector.shape_cast %convert_element_type3A_1270 : vector<16xf32> to vector<1x16xf32>
      tpu.vector_store %arg5[%swap3A_1271, %swap3A_1272], %swap3A_1275 {strides = array<i32>} : memref<16x128xf32, #tpu.memory_space<vmem>>, vector<1x16xf32>,
      %broadcast_in_dim3A_1276 = arith.constant 0 : i32
      %broadcast_in_dim3A_1277 = vector.broadcast %broadcast_in_dim3A_1276 : i32 to vector<16xi32>
      %get3A_1278 = arith.constant 0 : i32
      %get3A_1279 = arith.index_cast %scan3A_40 : i32 to index
      %get3A_1280 = arith.index_cast %get3A_1278 : i32 to index
      %get3A_1281 = arith.constant 80 : index
      %get3A_1282 = tpu.vector_load %arg4[%get3A_1279, %get3A_1280, %get3A_1281] {strides = array<i32>} : memref<16x16x128xi32, #tpu.memory_space<vmem>>, vector<1x1x16xi32>,
      %get3A_1283 = vector.shape_cast %get3A_1282 : vector<1x1x16xi32> to vector<16xi32>
      %ne3A_1284 = arith.constant -1 : i32
      %ne3A_1285 = vector.broadcast %ne3A_1284 : i32 to vector<16xi32>
      %ne3A_1286 = arith.cmpi ne, %get3A_1283, %ne3A_1285 : vector<16xi32>
      %jit3A_1287 = arith.constant 1 : i32
      %jit3A_1288 = arith.constant 0 : i32
      %broadcast_in_dim3A_1289 = vector.broadcast %jit3A_1287 : i32 to vector<16xi32>
      %broadcast_in_dim3A_1290 = vector.broadcast %jit3A_1288 : i32 to vector<16xi32>
      %select_n3A_1291 = arith.select %ne3A_1286, %broadcast_in_dim3A_1289, %broadcast_in_dim3A_1290 : vector<16xi1>, vector<16xi32>
      %or3A_1292 = arith.ori %broadcast_in_dim3A_1277, %select_n3A_1291 : vector<16xi32>
      %get3A_1293 = arith.constant 1 : i32
      %get3A_1294 = arith.index_cast %scan3A_40 : i32 to index
      %get3A_1295 = arith.index_cast %get3A_1293 : i32 to index
      %get3A_1296 = arith.constant 80 : index
      %get3A_1297 = tpu.vector_load %arg4[%get3A_1294, %get3A_1295, %get3A_1296] {strides = array<i32>} : memref<16x16x128xi32, #tpu.memory_space<vmem>>, vector<1x1x16xi32>,
      %get3A_1298 = vector.shape_cast %get3A_1297 : vector<1x1x16xi32> to vector<16xi32>
      %ne3A_1299 = arith.constant -1 : i32
      %ne3A_1300 = vector.broadcast %ne3A_1299 : i32 to vector<16xi32>
      %ne3A_1301 = arith.cmpi ne, %get3A_1298, %ne3A_1300 : vector<16xi32>
      %jit3A_1302 = arith.constant 1 : i32
      %jit3A_1303 = arith.constant 0 : i32
      %broadcast_in_dim3A_1304 = vector.broadcast %jit3A_1302 : i32 to vector<16xi32>
      %broadcast_in_dim3A_1305 = vector.broadcast %jit3A_1303 : i32 to vector<16xi32>
      %select_n3A_1306 = arith.select %ne3A_1301, %broadcast_in_dim3A_1304, %broadcast_in_dim3A_1305 : vector<16xi1>, vector<16xi32>
      %or3A_1307 = arith.ori %or3A_1292, %select_n3A_1306 : vector<16xi32>
      %get3A_1308 = arith.constant 2 : i32
      %get3A_1309 = arith.index_cast %scan3A_40 : i32 to index
      %get3A_1310 = arith.index_cast %get3A_1308 : i32 to index
      %get3A_1311 = arith.constant 80 : index
      %get3A_1312 = tpu.vector_load %arg4[%get3A_1309, %get3A_1310, %get3A_1311] {strides = array<i32>} : memref<16x16x128xi32, #tpu.memory_space<vmem>>, vector<1x1x16xi32>,
      %get3A_1313 = vector.shape_cast %get3A_1312 : vector<1x1x16xi32> to vector<16xi32>
      %ne3A_1314 = arith.constant -1 : i32
      %ne3A_1315 = vector.broadcast %ne3A_1314 : i32 to vector<16xi32>
      %ne3A_1316 = arith.cmpi ne, %get3A_1313, %ne3A_1315 : vector<16xi32>
      %jit3A_1317 = arith.constant 1 : i32
      %jit3A_1318 = arith.constant 0 : i32
      %broadcast_in_dim3A_1319 = vector.broadcast %jit3A_1317 : i32 to vector<16xi32>
      %broadcast_in_dim3A_1320 = vector.broadcast %jit3A_1318 : i32 to vector<16xi32>
      %select_n3A_1321 = arith.select %ne3A_1316, %broadcast_in_dim3A_1319, %broadcast_in_dim3A_1320 : vector<16xi1>, vector<16xi32>
      %or3A_1322 = arith.ori %or3A_1307, %select_n3A_1321 : vector<16xi32>
      %get3A_1323 = arith.constant 3 : i32
      %get3A_1324 = arith.index_cast %scan3A_40 : i32 to index
      %get3A_1325 = arith.index_cast %get3A_1323 : i32 to index
      %get3A_1326 = arith.constant 80 : index
      %get3A_1327 = tpu.vector_load %arg4[%get3A_1324, %get3A_1325, %get3A_1326] {strides = array<i32>} : memref<16x16x128xi32, #tpu.memory_space<vmem>>, vector<1x1x16xi32>,
      %get3A_1328 = vector.shape_cast %get3A_1327 : vector<1x1x16xi32> to vector<16xi32>
      %ne3A_1329 = arith.constant -1 : i32
      %ne3A_1330 = vector.broadcast %ne3A_1329 : i32 to vector<16xi32>
      %ne3A_1331 = arith.cmpi ne, %get3A_1328, %ne3A_1330 : vector<16xi32>
      %jit3A_1332 = arith.constant 1 : i32
      %jit3A_1333 = arith.constant 0 : i32
      %broadcast_in_dim3A_1334 = vector.broadcast %jit3A_1332 : i32 to vector<16xi32>
      %broadcast_in_dim3A_1335 = vector.broadcast %jit3A_1333 : i32 to vector<16xi32>
      %select_n3A_1336 = arith.select %ne3A_1331, %broadcast_in_dim3A_1334, %broadcast_in_dim3A_1335 : vector<16xi1>, vector<16xi32>
      %or3A_1337 = arith.ori %or3A_1322, %select_n3A_1336 : vector<16xi32>
      %get3A_1338 = arith.constant 4 : i32
      %get3A_1339 = arith.index_cast %scan3A_40 : i32 to index
      %get3A_1340 = arith.index_cast %get3A_1338 : i32 to index
      %get3A_1341 = arith.constant 80 : index
      %get3A_1342 = tpu.vector_load %arg4[%get3A_1339, %get3A_1340, %get3A_1341] {strides = array<i32>} : memref<16x16x128xi32, #tpu.memory_space<vmem>>, vector<1x1x16xi32>,
      %get3A_1343 = vector.shape_cast %get3A_1342 : vector<1x1x16xi32> to vector<16xi32>
      %ne3A_1344 = arith.constant -1 : i32
      %ne3A_1345 = vector.broadcast %ne3A_1344 : i32 to vector<16xi32>
      %ne3A_1346 = arith.cmpi ne, %get3A_1343, %ne3A_1345 : vector<16xi32>
      %jit3A_1347 = arith.constant 1 : i32
      %jit3A_1348 = arith.constant 0 : i32
      %broadcast_in_dim3A_1349 = vector.broadcast %jit3A_1347 : i32 to vector<16xi32>
      %broadcast_in_dim3A_1350 = vector.broadcast %jit3A_1348 : i32 to vector<16xi32>
      %select_n3A_1351 = arith.select %ne3A_1346, %broadcast_in_dim3A_1349, %broadcast_in_dim3A_1350 : vector<16xi1>, vector<16xi32>
      %or3A_1352 = arith.ori %or3A_1337, %select_n3A_1351 : vector<16xi32>
      %get3A_1353 = arith.constant 5 : i32
      %get3A_1354 = arith.index_cast %scan3A_40 : i32 to index
      %get3A_1355 = arith.index_cast %get3A_1353 : i32 to index
      %get3A_1356 = arith.constant 80 : index
      %get3A_1357 = tpu.vector_load %arg4[%get3A_1354, %get3A_1355, %get3A_1356] {strides = array<i32>} : memref<16x16x128xi32, #tpu.memory_space<vmem>>, vector<1x1x16xi32>,
      %get3A_1358 = vector.shape_cast %get3A_1357 : vector<1x1x16xi32> to vector<16xi32>
      %ne3A_1359 = arith.constant -1 : i32
      %ne3A_1360 = vector.broadcast %ne3A_1359 : i32 to vector<16xi32>
      %ne3A_1361 = arith.cmpi ne, %get3A_1358, %ne3A_1360 : vector<16xi32>
      %jit3A_1362 = arith.constant 1 : i32
      %jit3A_1363 = arith.constant 0 : i32
      %broadcast_in_dim3A_1364 = vector.broadcast %jit3A_1362 : i32 to vector<16xi32>
      %broadcast_in_dim3A_1365 = vector.broadcast %jit3A_1363 : i32 to vector<16xi32>
      %select_n3A_1366 = arith.select %ne3A_1361, %broadcast_in_dim3A_1364, %broadcast_in_dim3A_1365 : vector<16xi1>, vector<16xi32>
      %or3A_1367 = arith.ori %or3A_1352, %select_n3A_1366 : vector<16xi32>
      %get3A_1368 = arith.constant 6 : i32
      %get3A_1369 = arith.index_cast %scan3A_40 : i32 to index
      %get3A_1370 = arith.index_cast %get3A_1368 : i32 to index
      %get3A_1371 = arith.constant 80 : index
      %get3A_1372 = tpu.vector_load %arg4[%get3A_1369, %get3A_1370, %get3A_1371] {strides = array<i32>} : memref<16x16x128xi32, #tpu.memory_space<vmem>>, vector<1x1x16xi32>,
      %get3A_1373 = vector.shape_cast %get3A_1372 : vector<1x1x16xi32> to vector<16xi32>
      %ne3A_1374 = arith.constant -1 : i32
      %ne3A_1375 = vector.broadcast %ne3A_1374 : i32 to vector<16xi32>
      %ne3A_1376 = arith.cmpi ne, %get3A_1373, %ne3A_1375 : vector<16xi32>
      %jit3A_1377 = arith.constant 1 : i32
      %jit3A_1378 = arith.constant 0 : i32
      %broadcast_in_dim3A_1379 = vector.broadcast %jit3A_1377 : i32 to vector<16xi32>
      %broadcast_in_dim3A_1380 = vector.broadcast %jit3A_1378 : i32 to vector<16xi32>
      %select_n3A_1381 = arith.select %ne3A_1376, %broadcast_in_dim3A_1379, %broadcast_in_dim3A_1380 : vector<16xi1>, vector<16xi32>
      %or3A_1382 = arith.ori %or3A_1367, %select_n3A_1381 : vector<16xi32>
      %get3A_1383 = arith.constant 7 : i32
      %get3A_1384 = arith.index_cast %scan3A_40 : i32 to index
      %get3A_1385 = arith.index_cast %get3A_1383 : i32 to index
      %get3A_1386 = arith.constant 80 : index
      %get3A_1387 = tpu.vector_load %arg4[%get3A_1384, %get3A_1385, %get3A_1386] {strides = array<i32>} : memref<16x16x128xi32, #tpu.memory_space<vmem>>, vector<1x1x16xi32>,
      %get3A_1388 = vector.shape_cast %get3A_1387 : vector<1x1x16xi32> to vector<16xi32>
      %ne3A_1389 = arith.constant -1 : i32
      %ne3A_1390 = vector.broadcast %ne3A_1389 : i32 to vector<16xi32>
      %ne3A_1391 = arith.cmpi ne, %get3A_1388, %ne3A_1390 : vector<16xi32>
      %jit3A_1392 = arith.constant 1 : i32
      %jit3A_1393 = arith.constant 0 : i32
      %broadcast_in_dim3A_1394 = vector.broadcast %jit3A_1392 : i32 to vector<16xi32>
      %broadcast_in_dim3A_1395 = vector.broadcast %jit3A_1393 : i32 to vector<16xi32>
      %select_n3A_1396 = arith.select %ne3A_1391, %broadcast_in_dim3A_1394, %broadcast_in_dim3A_1395 : vector<16xi1>, vector<16xi32>
      %or3A_1397 = arith.ori %or3A_1382, %select_n3A_1396 : vector<16xi32>
      %get3A_1398 = arith.constant 8 : i32
      %get3A_1399 = arith.index_cast %scan3A_40 : i32 to index
      %get3A_1400 = arith.index_cast %get3A_1398 : i32 to index
      %get3A_1401 = arith.constant 80 : index
      %get3A_1402 = tpu.vector_load %arg4[%get3A_1399, %get3A_1400, %get3A_1401] {strides = array<i32>} : memref<16x16x128xi32, #tpu.memory_space<vmem>>, vector<1x1x16xi32>,
      %get3A_1403 = vector.shape_cast %get3A_1402 : vector<1x1x16xi32> to vector<16xi32>
      %ne3A_1404 = arith.constant -1 : i32
      %ne3A_1405 = vector.broadcast %ne3A_1404 : i32 to vector<16xi32>
      %ne3A_1406 = arith.cmpi ne, %get3A_1403, %ne3A_1405 : vector<16xi32>
      %jit3A_1407 = arith.constant 1 : i32
      %jit3A_1408 = arith.constant 0 : i32
      %broadcast_in_dim3A_1409 = vector.broadcast %jit3A_1407 : i32 to vector<16xi32>
      %broadcast_in_dim3A_1410 = vector.broadcast %jit3A_1408 : i32 to vector<16xi32>
      %select_n3A_1411 = arith.select %ne3A_1406, %broadcast_in_dim3A_1409, %broadcast_in_dim3A_1410 : vector<16xi1>, vector<16xi32>
      %or3A_1412 = arith.ori %or3A_1397, %select_n3A_1411 : vector<16xi32>
      %get3A_1413 = arith.constant 9 : i32
      %get3A_1414 = arith.index_cast %scan3A_40 : i32 to index
      %get3A_1415 = arith.index_cast %get3A_1413 : i32 to index
      %get3A_1416 = arith.constant 80 : index
      %get3A_1417 = tpu.vector_load %arg4[%get3A_1414, %get3A_1415, %get3A_1416] {strides = array<i32>} : memref<16x16x128xi32, #tpu.memory_space<vmem>>, vector<1x1x16xi32>,
      %get3A_1418 = vector.shape_cast %get3A_1417 : vector<1x1x16xi32> to vector<16xi32>
      %ne3A_1419 = arith.constant -1 : i32
      %ne3A_1420 = vector.broadcast %ne3A_1419 : i32 to vector<16xi32>
      %ne3A_1421 = arith.cmpi ne, %get3A_1418, %ne3A_1420 : vector<16xi32>
      %jit3A_1422 = arith.constant 1 : i32
      %jit3A_1423 = arith.constant 0 : i32
      %broadcast_in_dim3A_1424 = vector.broadcast %jit3A_1422 : i32 to vector<16xi32>
      %broadcast_in_dim3A_1425 = vector.broadcast %jit3A_1423 : i32 to vector<16xi32>
      %select_n3A_1426 = arith.select %ne3A_1421, %broadcast_in_dim3A_1424, %broadcast_in_dim3A_1425 : vector<16xi1>, vector<16xi32>
      %or3A_1427 = arith.ori %or3A_1412, %select_n3A_1426 : vector<16xi32>
      %get3A_1428 = arith.constant 10 : i32
      %get3A_1429 = arith.index_cast %scan3A_40 : i32 to index
      %get3A_1430 = arith.index_cast %get3A_1428 : i32 to index
      %get3A_1431 = arith.constant 80 : index
      %get3A_1432 = tpu.vector_load %arg4[%get3A_1429, %get3A_1430, %get3A_1431] {strides = array<i32>} : memref<16x16x128xi32, #tpu.memory_space<vmem>>, vector<1x1x16xi32>,
      %get3A_1433 = vector.shape_cast %get3A_1432 : vector<1x1x16xi32> to vector<16xi32>
      %ne3A_1434 = arith.constant -1 : i32
      %ne3A_1435 = vector.broadcast %ne3A_1434 : i32 to vector<16xi32>
      %ne3A_1436 = arith.cmpi ne, %get3A_1433, %ne3A_1435 : vector<16xi32>
      %jit3A_1437 = arith.constant 1 : i32
      %jit3A_1438 = arith.constant 0 : i32
      %broadcast_in_dim3A_1439 = vector.broadcast %jit3A_1437 : i32 to vector<16xi32>
      %broadcast_in_dim3A_1440 = vector.broadcast %jit3A_1438 : i32 to vector<16xi32>
      %select_n3A_1441 = arith.select %ne3A_1436, %broadcast_in_dim3A_1439, %broadcast_in_dim3A_1440 : vector<16xi1>, vector<16xi32>
      %or3A_1442 = arith.ori %or3A_1427, %select_n3A_1441 : vector<16xi32>
      %get3A_1443 = arith.constant 11 : i32
      %get3A_1444 = arith.index_cast %scan3A_40 : i32 to index
      %get3A_1445 = arith.index_cast %get3A_1443 : i32 to index
      %get3A_1446 = arith.constant 80 : index
      %get3A_1447 = tpu.vector_load %arg4[%get3A_1444, %get3A_1445, %get3A_1446] {strides = array<i32>} : memref<16x16x128xi32, #tpu.memory_space<vmem>>, vector<1x1x16xi32>,
      %get3A_1448 = vector.shape_cast %get3A_1447 : vector<1x1x16xi32> to vector<16xi32>
      %ne3A_1449 = arith.constant -1 : i32
      %ne3A_1450 = vector.broadcast %ne3A_1449 : i32 to vector<16xi32>
      %ne3A_1451 = arith.cmpi ne, %get3A_1448, %ne3A_1450 : vector<16xi32>
      %jit3A_1452 = arith.constant 1 : i32
      %jit3A_1453 = arith.constant 0 : i32
      %broadcast_in_dim3A_1454 = vector.broadcast %jit3A_1452 : i32 to vector<16xi32>
      %broadcast_in_dim3A_1455 = vector.broadcast %jit3A_1453 : i32 to vector<16xi32>
      %select_n3A_1456 = arith.select %ne3A_1451, %broadcast_in_dim3A_1454, %broadcast_in_dim3A_1455 : vector<16xi1>, vector<16xi32>
      %or3A_1457 = arith.ori %or3A_1442, %select_n3A_1456 : vector<16xi32>
      %get3A_1458 = arith.constant 12 : i32
      %get3A_1459 = arith.index_cast %scan3A_40 : i32 to index
      %get3A_1460 = arith.index_cast %get3A_1458 : i32 to index
      %get3A_1461 = arith.constant 80 : index
      %get3A_1462 = tpu.vector_load %arg4[%get3A_1459, %get3A_1460, %get3A_1461] {strides = array<i32>} : memref<16x16x128xi32, #tpu.memory_space<vmem>>, vector<1x1x16xi32>,
      %get3A_1463 = vector.shape_cast %get3A_1462 : vector<1x1x16xi32> to vector<16xi32>
      %ne3A_1464 = arith.constant -1 : i32
      %ne3A_1465 = vector.broadcast %ne3A_1464 : i32 to vector<16xi32>
      %ne3A_1466 = arith.cmpi ne, %get3A_1463, %ne3A_1465 : vector<16xi32>
      %jit3A_1467 = arith.constant 1 : i32
      %jit3A_1468 = arith.constant 0 : i32
      %broadcast_in_dim3A_1469 = vector.broadcast %jit3A_1467 : i32 to vector<16xi32>
      %broadcast_in_dim3A_1470 = vector.broadcast %jit3A_1468 : i32 to vector<16xi32>
      %select_n3A_1471 = arith.select %ne3A_1466, %broadcast_in_dim3A_1469, %broadcast_in_dim3A_1470 : vector<16xi1>, vector<16xi32>
      %or3A_1472 = arith.ori %or3A_1457, %select_n3A_1471 : vector<16xi32>
      %get3A_1473 = arith.constant 13 : i32
      %get3A_1474 = arith.index_cast %scan3A_40 : i32 to index
      %get3A_1475 = arith.index_cast %get3A_1473 : i32 to index
      %get3A_1476 = arith.constant 80 : index
      %get3A_1477 = tpu.vector_load %arg4[%get3A_1474, %get3A_1475, %get3A_1476] {strides = array<i32>} : memref<16x16x128xi32, #tpu.memory_space<vmem>>, vector<1x1x16xi32>,
      %get3A_1478 = vector.shape_cast %get3A_1477 : vector<1x1x16xi32> to vector<16xi32>
      %ne3A_1479 = arith.constant -1 : i32
      %ne3A_1480 = vector.broadcast %ne3A_1479 : i32 to vector<16xi32>
      %ne3A_1481 = arith.cmpi ne, %get3A_1478, %ne3A_1480 : vector<16xi32>
      %jit3A_1482 = arith.constant 1 : i32
      %jit3A_1483 = arith.constant 0 : i32
      %broadcast_in_dim3A_1484 = vector.broadcast %jit3A_1482 : i32 to vector<16xi32>
      %broadcast_in_dim3A_1485 = vector.broadcast %jit3A_1483 : i32 to vector<16xi32>
      %select_n3A_1486 = arith.select %ne3A_1481, %broadcast_in_dim3A_1484, %broadcast_in_dim3A_1485 : vector<16xi1>, vector<16xi32>
      %or3A_1487 = arith.ori %or3A_1472, %select_n3A_1486 : vector<16xi32>
      %get3A_1488 = arith.constant 14 : i32
      %get3A_1489 = arith.index_cast %scan3A_40 : i32 to index
      %get3A_1490 = arith.index_cast %get3A_1488 : i32 to index
      %get3A_1491 = arith.constant 80 : index
      %get3A_1492 = tpu.vector_load %arg4[%get3A_1489, %get3A_1490, %get3A_1491] {strides = array<i32>} : memref<16x16x128xi32, #tpu.memory_space<vmem>>, vector<1x1x16xi32>,
      %get3A_1493 = vector.shape_cast %get3A_1492 : vector<1x1x16xi32> to vector<16xi32>
      %ne3A_1494 = arith.constant -1 : i32
      %ne3A_1495 = vector.broadcast %ne3A_1494 : i32 to vector<16xi32>
      %ne3A_1496 = arith.cmpi ne, %get3A_1493, %ne3A_1495 : vector<16xi32>
      %jit3A_1497 = arith.constant 1 : i32
      %jit3A_1498 = arith.constant 0 : i32
      %broadcast_in_dim3A_1499 = vector.broadcast %jit3A_1497 : i32 to vector<16xi32>
      %broadcast_in_dim3A_1500 = vector.broadcast %jit3A_1498 : i32 to vector<16xi32>
      %select_n3A_1501 = arith.select %ne3A_1496, %broadcast_in_dim3A_1499, %broadcast_in_dim3A_1500 : vector<16xi1>, vector<16xi32>
      %or3A_1502 = arith.ori %or3A_1487, %select_n3A_1501 : vector<16xi32>
      %get3A_1503 = arith.constant 15 : i32
      %get3A_1504 = arith.index_cast %scan3A_40 : i32 to index
      %get3A_1505 = arith.index_cast %get3A_1503 : i32 to index
      %get3A_1506 = arith.constant 80 : index
      %get3A_1507 = tpu.vector_load %arg4[%get3A_1504, %get3A_1505, %get3A_1506] {strides = array<i32>} : memref<16x16x128xi32, #tpu.memory_space<vmem>>, vector<1x1x16xi32>,
      %get3A_1508 = vector.shape_cast %get3A_1507 : vector<1x1x16xi32> to vector<16xi32>
      %ne3A_1509 = arith.constant -1 : i32
      %ne3A_1510 = vector.broadcast %ne3A_1509 : i32 to vector<16xi32>
      %ne3A_1511 = arith.cmpi ne, %get3A_1508, %ne3A_1510 : vector<16xi32>
      %jit3A_1512 = arith.constant 1 : i32
      %jit3A_1513 = arith.constant 0 : i32
      %broadcast_in_dim3A_1514 = vector.broadcast %jit3A_1512 : i32 to vector<16xi32>
      %broadcast_in_dim3A_1515 = vector.broadcast %jit3A_1513 : i32 to vector<16xi32>
      %select_n3A_1516 = arith.select %ne3A_1511, %broadcast_in_dim3A_1514, %broadcast_in_dim3A_1515 : vector<16xi1>, vector<16xi32>
      %or3A_1517 = arith.ori %or3A_1502, %select_n3A_1516 : vector<16xi32>
      %convert_element_type3A_1518 = arith.sitofp %or3A_1517 : vector<16xi32> to vector<16xf32>
      %swap3A_1519 = arith.index_cast %scan3A_40 : i32 to index
      %swap3A_1520 = arith.constant 80 : index
      %swap3A_1521 = tpu.vector_load %arg5[%swap3A_1519, %swap3A_1520] {strides = array<i32>} : memref<16x128xf32, #tpu.memory_space<vmem>>, vector<1x16xf32>,
      %swap3A_1522 = vector.shape_cast %swap3A_1521 : vector<1x16xf32> to vector<16xf32>
      %swap3A_1523 = vector.shape_cast %convert_element_type3A_1518 : vector<16xf32> to vector<1x16xf32>
      tpu.vector_store %arg5[%swap3A_1519, %swap3A_1520], %swap3A_1523 {strides = array<i32>} : memref<16x128xf32, #tpu.memory_space<vmem>>, vector<1x16xf32>,
      %broadcast_in_dim3A_1524 = arith.constant 0 : i32
      %broadcast_in_dim3A_1525 = vector.broadcast %broadcast_in_dim3A_1524 : i32 to vector<16xi32>
      %get3A_1526 = arith.constant 0 : i32
      %get3A_1527 = arith.index_cast %scan3A_40 : i32 to index
      %get3A_1528 = arith.index_cast %get3A_1526 : i32 to index
      %get3A_1529 = arith.constant 96 : index
      %get3A_1530 = tpu.vector_load %arg4[%get3A_1527, %get3A_1528, %get3A_1529] {strides = array<i32>} : memref<16x16x128xi32, #tpu.memory_space<vmem>>, vector<1x1x16xi32>,
      %get3A_1531 = vector.shape_cast %get3A_1530 : vector<1x1x16xi32> to vector<16xi32>
      %ne3A_1532 = arith.constant -1 : i32
      %ne3A_1533 = vector.broadcast %ne3A_1532 : i32 to vector<16xi32>
      %ne3A_1534 = arith.cmpi ne, %get3A_1531, %ne3A_1533 : vector<16xi32>
      %jit3A_1535 = arith.constant 1 : i32
      %jit3A_1536 = arith.constant 0 : i32
      %broadcast_in_dim3A_1537 = vector.broadcast %jit3A_1535 : i32 to vector<16xi32>
      %broadcast_in_dim3A_1538 = vector.broadcast %jit3A_1536 : i32 to vector<16xi32>
      %select_n3A_1539 = arith.select %ne3A_1534, %broadcast_in_dim3A_1537, %broadcast_in_dim3A_1538 : vector<16xi1>, vector<16xi32>
      %or3A_1540 = arith.ori %broadcast_in_dim3A_1525, %select_n3A_1539 : vector<16xi32>
      %get3A_1541 = arith.constant 1 : i32
      %get3A_1542 = arith.index_cast %scan3A_40 : i32 to index
      %get3A_1543 = arith.index_cast %get3A_1541 : i32 to index
      %get3A_1544 = arith.constant 96 : index
      %get3A_1545 = tpu.vector_load %arg4[%get3A_1542, %get3A_1543, %get3A_1544] {strides = array<i32>} : memref<16x16x128xi32, #tpu.memory_space<vmem>>, vector<1x1x16xi32>,
      %get3A_1546 = vector.shape_cast %get3A_1545 : vector<1x1x16xi32> to vector<16xi32>
      %ne3A_1547 = arith.constant -1 : i32
      %ne3A_1548 = vector.broadcast %ne3A_1547 : i32 to vector<16xi32>
      %ne3A_1549 = arith.cmpi ne, %get3A_1546, %ne3A_1548 : vector<16xi32>
      %jit3A_1550 = arith.constant 1 : i32
      %jit3A_1551 = arith.constant 0 : i32
      %broadcast_in_dim3A_1552 = vector.broadcast %jit3A_1550 : i32 to vector<16xi32>
      %broadcast_in_dim3A_1553 = vector.broadcast %jit3A_1551 : i32 to vector<16xi32>
      %select_n3A_1554 = arith.select %ne3A_1549, %broadcast_in_dim3A_1552, %broadcast_in_dim3A_1553 : vector<16xi1>, vector<16xi32>
      %or3A_1555 = arith.ori %or3A_1540, %select_n3A_1554 : vector<16xi32>
      %get3A_1556 = arith.constant 2 : i32
      %get3A_1557 = arith.index_cast %scan3A_40 : i32 to index
      %get3A_1558 = arith.index_cast %get3A_1556 : i32 to index
      %get3A_1559 = arith.constant 96 : index
      %get3A_1560 = tpu.vector_load %arg4[%get3A_1557, %get3A_1558, %get3A_1559] {strides = array<i32>} : memref<16x16x128xi32, #tpu.memory_space<vmem>>, vector<1x1x16xi32>,
      %get3A_1561 = vector.shape_cast %get3A_1560 : vector<1x1x16xi32> to vector<16xi32>
      %ne3A_1562 = arith.constant -1 : i32
      %ne3A_1563 = vector.broadcast %ne3A_1562 : i32 to vector<16xi32>
      %ne3A_1564 = arith.cmpi ne, %get3A_1561, %ne3A_1563 : vector<16xi32>
      %jit3A_1565 = arith.constant 1 : i32
      %jit3A_1566 = arith.constant 0 : i32
      %broadcast_in_dim3A_1567 = vector.broadcast %jit3A_1565 : i32 to vector<16xi32>
      %broadcast_in_dim3A_1568 = vector.broadcast %jit3A_1566 : i32 to vector<16xi32>
      %select_n3A_1569 = arith.select %ne3A_1564, %broadcast_in_dim3A_1567, %broadcast_in_dim3A_1568 : vector<16xi1>, vector<16xi32>
      %or3A_1570 = arith.ori %or3A_1555, %select_n3A_1569 : vector<16xi32>
      %get3A_1571 = arith.constant 3 : i32
      %get3A_1572 = arith.index_cast %scan3A_40 : i32 to index
      %get3A_1573 = arith.index_cast %get3A_1571 : i32 to index
      %get3A_1574 = arith.constant 96 : index
      %get3A_1575 = tpu.vector_load %arg4[%get3A_1572, %get3A_1573, %get3A_1574] {strides = array<i32>} : memref<16x16x128xi32, #tpu.memory_space<vmem>>, vector<1x1x16xi32>,
      %get3A_1576 = vector.shape_cast %get3A_1575 : vector<1x1x16xi32> to vector<16xi32>
      %ne3A_1577 = arith.constant -1 : i32
      %ne3A_1578 = vector.broadcast %ne3A_1577 : i32 to vector<16xi32>
      %ne3A_1579 = arith.cmpi ne, %get3A_1576, %ne3A_1578 : vector<16xi32>
      %jit3A_1580 = arith.constant 1 : i32
      %jit3A_1581 = arith.constant 0 : i32
      %broadcast_in_dim3A_1582 = vector.broadcast %jit3A_1580 : i32 to vector<16xi32>
      %broadcast_in_dim3A_1583 = vector.broadcast %jit3A_1581 : i32 to vector<16xi32>
      %select_n3A_1584 = arith.select %ne3A_1579, %broadcast_in_dim3A_1582, %broadcast_in_dim3A_1583 : vector<16xi1>, vector<16xi32>
      %or3A_1585 = arith.ori %or3A_1570, %select_n3A_1584 : vector<16xi32>
      %get3A_1586 = arith.constant 4 : i32
      %get3A_1587 = arith.index_cast %scan3A_40 : i32 to index
      %get3A_1588 = arith.index_cast %get3A_1586 : i32 to index
      %get3A_1589 = arith.constant 96 : index
      %get3A_1590 = tpu.vector_load %arg4[%get3A_1587, %get3A_1588, %get3A_1589] {strides = array<i32>} : memref<16x16x128xi32, #tpu.memory_space<vmem>>, vector<1x1x16xi32>,
      %get3A_1591 = vector.shape_cast %get3A_1590 : vector<1x1x16xi32> to vector<16xi32>
      %ne3A_1592 = arith.constant -1 : i32
      %ne3A_1593 = vector.broadcast %ne3A_1592 : i32 to vector<16xi32>
      %ne3A_1594 = arith.cmpi ne, %get3A_1591, %ne3A_1593 : vector<16xi32>
      %jit3A_1595 = arith.constant 1 : i32
      %jit3A_1596 = arith.constant 0 : i32
      %broadcast_in_dim3A_1597 = vector.broadcast %jit3A_1595 : i32 to vector<16xi32>
      %broadcast_in_dim3A_1598 = vector.broadcast %jit3A_1596 : i32 to vector<16xi32>
      %select_n3A_1599 = arith.select %ne3A_1594, %broadcast_in_dim3A_1597, %broadcast_in_dim3A_1598 : vector<16xi1>, vector<16xi32>
      %or3A_1600 = arith.ori %or3A_1585, %select_n3A_1599 : vector<16xi32>
      %get3A_1601 = arith.constant 5 : i32
      %get3A_1602 = arith.index_cast %scan3A_40 : i32 to index
      %get3A_1603 = arith.index_cast %get3A_1601 : i32 to index
      %get3A_1604 = arith.constant 96 : index
      %get3A_1605 = tpu.vector_load %arg4[%get3A_1602, %get3A_1603, %get3A_1604] {strides = array<i32>} : memref<16x16x128xi32, #tpu.memory_space<vmem>>, vector<1x1x16xi32>,
      %get3A_1606 = vector.shape_cast %get3A_1605 : vector<1x1x16xi32> to vector<16xi32>
      %ne3A_1607 = arith.constant -1 : i32
      %ne3A_1608 = vector.broadcast %ne3A_1607 : i32 to vector<16xi32>
      %ne3A_1609 = arith.cmpi ne, %get3A_1606, %ne3A_1608 : vector<16xi32>
      %jit3A_1610 = arith.constant 1 : i32
      %jit3A_1611 = arith.constant 0 : i32
      %broadcast_in_dim3A_1612 = vector.broadcast %jit3A_1610 : i32 to vector<16xi32>
      %broadcast_in_dim3A_1613 = vector.broadcast %jit3A_1611 : i32 to vector<16xi32>
      %select_n3A_1614 = arith.select %ne3A_1609, %broadcast_in_dim3A_1612, %broadcast_in_dim3A_1613 : vector<16xi1>, vector<16xi32>
      %or3A_1615 = arith.ori %or3A_1600, %select_n3A_1614 : vector<16xi32>
      %get3A_1616 = arith.constant 6 : i32
      %get3A_1617 = arith.index_cast %scan3A_40 : i32 to index
      %get3A_1618 = arith.index_cast %get3A_1616 : i32 to index
      %get3A_1619 = arith.constant 96 : index
      %get3A_1620 = tpu.vector_load %arg4[%get3A_1617, %get3A_1618, %get3A_1619] {strides = array<i32>} : memref<16x16x128xi32, #tpu.memory_space<vmem>>, vector<1x1x16xi32>,
      %get3A_1621 = vector.shape_cast %get3A_1620 : vector<1x1x16xi32> to vector<16xi32>
      %ne3A_1622 = arith.constant -1 : i32
      %ne3A_1623 = vector.broadcast %ne3A_1622 : i32 to vector<16xi32>
      %ne3A_1624 = arith.cmpi ne, %get3A_1621, %ne3A_1623 : vector<16xi32>
      %jit3A_1625 = arith.constant 1 : i32
      %jit3A_1626 = arith.constant 0 : i32
      %broadcast_in_dim3A_1627 = vector.broadcast %jit3A_1625 : i32 to vector<16xi32>
      %broadcast_in_dim3A_1628 = vector.broadcast %jit3A_1626 : i32 to vector<16xi32>
      %select_n3A_1629 = arith.select %ne3A_1624, %broadcast_in_dim3A_1627, %broadcast_in_dim3A_1628 : vector<16xi1>, vector<16xi32>
      %or3A_1630 = arith.ori %or3A_1615, %select_n3A_1629 : vector<16xi32>
      %get3A_1631 = arith.constant 7 : i32
      %get3A_1632 = arith.index_cast %scan3A_40 : i32 to index
      %get3A_1633 = arith.index_cast %get3A_1631 : i32 to index
      %get3A_1634 = arith.constant 96 : index
      %get3A_1635 = tpu.vector_load %arg4[%get3A_1632, %get3A_1633, %get3A_1634] {strides = array<i32>} : memref<16x16x128xi32, #tpu.memory_space<vmem>>, vector<1x1x16xi32>,
      %get3A_1636 = vector.shape_cast %get3A_1635 : vector<1x1x16xi32> to vector<16xi32>
      %ne3A_1637 = arith.constant -1 : i32
      %ne3A_1638 = vector.broadcast %ne3A_1637 : i32 to vector<16xi32>
      %ne3A_1639 = arith.cmpi ne, %get3A_1636, %ne3A_1638 : vector<16xi32>
      %jit3A_1640 = arith.constant 1 : i32
      %jit3A_1641 = arith.constant 0 : i32
      %broadcast_in_dim3A_1642 = vector.broadcast %jit3A_1640 : i32 to vector<16xi32>
      %broadcast_in_dim3A_1643 = vector.broadcast %jit3A_1641 : i32 to vector<16xi32>
      %select_n3A_1644 = arith.select %ne3A_1639, %broadcast_in_dim3A_1642, %broadcast_in_dim3A_1643 : vector<16xi1>, vector<16xi32>
      %or3A_1645 = arith.ori %or3A_1630, %select_n3A_1644 : vector<16xi32>
      %get3A_1646 = arith.constant 8 : i32
      %get3A_1647 = arith.index_cast %scan3A_40 : i32 to index
      %get3A_1648 = arith.index_cast %get3A_1646 : i32 to index
      %get3A_1649 = arith.constant 96 : index
      %get3A_1650 = tpu.vector_load %arg4[%get3A_1647, %get3A_1648, %get3A_1649] {strides = array<i32>} : memref<16x16x128xi32, #tpu.memory_space<vmem>>, vector<1x1x16xi32>,
      %get3A_1651 = vector.shape_cast %get3A_1650 : vector<1x1x16xi32> to vector<16xi32>
      %ne3A_1652 = arith.constant -1 : i32
      %ne3A_1653 = vector.broadcast %ne3A_1652 : i32 to vector<16xi32>
      %ne3A_1654 = arith.cmpi ne, %get3A_1651, %ne3A_1653 : vector<16xi32>
      %jit3A_1655 = arith.constant 1 : i32
      %jit3A_1656 = arith.constant 0 : i32
      %broadcast_in_dim3A_1657 = vector.broadcast %jit3A_1655 : i32 to vector<16xi32>
      %broadcast_in_dim3A_1658 = vector.broadcast %jit3A_1656 : i32 to vector<16xi32>
      %select_n3A_1659 = arith.select %ne3A_1654, %broadcast_in_dim3A_1657, %broadcast_in_dim3A_1658 : vector<16xi1>, vector<16xi32>
      %or3A_1660 = arith.ori %or3A_1645, %select_n3A_1659 : vector<16xi32>
      %get3A_1661 = arith.constant 9 : i32
      %get3A_1662 = arith.index_cast %scan3A_40 : i32 to index
      %get3A_1663 = arith.index_cast %get3A_1661 : i32 to index
      %get3A_1664 = arith.constant 96 : index
      %get3A_1665 = tpu.vector_load %arg4[%get3A_1662, %get3A_1663, %get3A_1664] {strides = array<i32>} : memref<16x16x128xi32, #tpu.memory_space<vmem>>, vector<1x1x16xi32>,
      %get3A_1666 = vector.shape_cast %get3A_1665 : vector<1x1x16xi32> to vector<16xi32>
      %ne3A_1667 = arith.constant -1 : i32
      %ne3A_1668 = vector.broadcast %ne3A_1667 : i32 to vector<16xi32>
      %ne3A_1669 = arith.cmpi ne, %get3A_1666, %ne3A_1668 : vector<16xi32>
      %jit3A_1670 = arith.constant 1 : i32
      %jit3A_1671 = arith.constant 0 : i32
      %broadcast_in_dim3A_1672 = vector.broadcast %jit3A_1670 : i32 to vector<16xi32>
      %broadcast_in_dim3A_1673 = vector.broadcast %jit3A_1671 : i32 to vector<16xi32>
      %select_n3A_1674 = arith.select %ne3A_1669, %broadcast_in_dim3A_1672, %broadcast_in_dim3A_1673 : vector<16xi1>, vector<16xi32>
      %or3A_1675 = arith.ori %or3A_1660, %select_n3A_1674 : vector<16xi32>
      %get3A_1676 = arith.constant 10 : i32
      %get3A_1677 = arith.index_cast %scan3A_40 : i32 to index
      %get3A_1678 = arith.index_cast %get3A_1676 : i32 to index
      %get3A_1679 = arith.constant 96 : index
      %get3A_1680 = tpu.vector_load %arg4[%get3A_1677, %get3A_1678, %get3A_1679] {strides = array<i32>} : memref<16x16x128xi32, #tpu.memory_space<vmem>>, vector<1x1x16xi32>,
      %get3A_1681 = vector.shape_cast %get3A_1680 : vector<1x1x16xi32> to vector<16xi32>
      %ne3A_1682 = arith.constant -1 : i32
      %ne3A_1683 = vector.broadcast %ne3A_1682 : i32 to vector<16xi32>
      %ne3A_1684 = arith.cmpi ne, %get3A_1681, %ne3A_1683 : vector<16xi32>
      %jit3A_1685 = arith.constant 1 : i32
      %jit3A_1686 = arith.constant 0 : i32
      %broadcast_in_dim3A_1687 = vector.broadcast %jit3A_1685 : i32 to vector<16xi32>
      %broadcast_in_dim3A_1688 = vector.broadcast %jit3A_1686 : i32 to vector<16xi32>
      %select_n3A_1689 = arith.select %ne3A_1684, %broadcast_in_dim3A_1687, %broadcast_in_dim3A_1688 : vector<16xi1>, vector<16xi32>
      %or3A_1690 = arith.ori %or3A_1675, %select_n3A_1689 : vector<16xi32>
      %get3A_1691 = arith.constant 11 : i32
      %get3A_1692 = arith.index_cast %scan3A_40 : i32 to index
      %get3A_1693 = arith.index_cast %get3A_1691 : i32 to index
      %get3A_1694 = arith.constant 96 : index
      %get3A_1695 = tpu.vector_load %arg4[%get3A_1692, %get3A_1693, %get3A_1694] {strides = array<i32>} : memref<16x16x128xi32, #tpu.memory_space<vmem>>, vector<1x1x16xi32>,
      %get3A_1696 = vector.shape_cast %get3A_1695 : vector<1x1x16xi32> to vector<16xi32>
      %ne3A_1697 = arith.constant -1 : i32
      %ne3A_1698 = vector.broadcast %ne3A_1697 : i32 to vector<16xi32>
      %ne3A_1699 = arith.cmpi ne, %get3A_1696, %ne3A_1698 : vector<16xi32>
      %jit3A_1700 = arith.constant 1 : i32
      %jit3A_1701 = arith.constant 0 : i32
      %broadcast_in_dim3A_1702 = vector.broadcast %jit3A_1700 : i32 to vector<16xi32>
      %broadcast_in_dim3A_1703 = vector.broadcast %jit3A_1701 : i32 to vector<16xi32>
      %select_n3A_1704 = arith.select %ne3A_1699, %broadcast_in_dim3A_1702, %broadcast_in_dim3A_1703 : vector<16xi1>, vector<16xi32>
      %or3A_1705 = arith.ori %or3A_1690, %select_n3A_1704 : vector<16xi32>
      %get3A_1706 = arith.constant 12 : i32
      %get3A_1707 = arith.index_cast %scan3A_40 : i32 to index
      %get3A_1708 = arith.index_cast %get3A_1706 : i32 to index
      %get3A_1709 = arith.constant 96 : index
      %get3A_1710 = tpu.vector_load %arg4[%get3A_1707, %get3A_1708, %get3A_1709] {strides = array<i32>} : memref<16x16x128xi32, #tpu.memory_space<vmem>>, vector<1x1x16xi32>,
      %get3A_1711 = vector.shape_cast %get3A_1710 : vector<1x1x16xi32> to vector<16xi32>
      %ne3A_1712 = arith.constant -1 : i32
      %ne3A_1713 = vector.broadcast %ne3A_1712 : i32 to vector<16xi32>
      %ne3A_1714 = arith.cmpi ne, %get3A_1711, %ne3A_1713 : vector<16xi32>
      %jit3A_1715 = arith.constant 1 : i32
      %jit3A_1716 = arith.constant 0 : i32
      %broadcast_in_dim3A_1717 = vector.broadcast %jit3A_1715 : i32 to vector<16xi32>
      %broadcast_in_dim3A_1718 = vector.broadcast %jit3A_1716 : i32 to vector<16xi32>
      %select_n3A_1719 = arith.select %ne3A_1714, %broadcast_in_dim3A_1717, %broadcast_in_dim3A_1718 : vector<16xi1>, vector<16xi32>
      %or3A_1720 = arith.ori %or3A_1705, %select_n3A_1719 : vector<16xi32>
      %get3A_1721 = arith.constant 13 : i32
      %get3A_1722 = arith.index_cast %scan3A_40 : i32 to index
      %get3A_1723 = arith.index_cast %get3A_1721 : i32 to index
      %get3A_1724 = arith.constant 96 : index
      %get3A_1725 = tpu.vector_load %arg4[%get3A_1722, %get3A_1723, %get3A_1724] {strides = array<i32>} : memref<16x16x128xi32, #tpu.memory_space<vmem>>, vector<1x1x16xi32>,
      %get3A_1726 = vector.shape_cast %get3A_1725 : vector<1x1x16xi32> to vector<16xi32>
      %ne3A_1727 = arith.constant -1 : i32
      %ne3A_1728 = vector.broadcast %ne3A_1727 : i32 to vector<16xi32>
      %ne3A_1729 = arith.cmpi ne, %get3A_1726, %ne3A_1728 : vector<16xi32>
      %jit3A_1730 = arith.constant 1 : i32
      %jit3A_1731 = arith.constant 0 : i32
      %broadcast_in_dim3A_1732 = vector.broadcast %jit3A_1730 : i32 to vector<16xi32>
      %broadcast_in_dim3A_1733 = vector.broadcast %jit3A_1731 : i32 to vector<16xi32>
      %select_n3A_1734 = arith.select %ne3A_1729, %broadcast_in_dim3A_1732, %broadcast_in_dim3A_1733 : vector<16xi1>, vector<16xi32>
      %or3A_1735 = arith.ori %or3A_1720, %select_n3A_1734 : vector<16xi32>
      %get3A_1736 = arith.constant 14 : i32
      %get3A_1737 = arith.index_cast %scan3A_40 : i32 to index
      %get3A_1738 = arith.index_cast %get3A_1736 : i32 to index
      %get3A_1739 = arith.constant 96 : index
      %get3A_1740 = tpu.vector_load %arg4[%get3A_1737, %get3A_1738, %get3A_1739] {strides = array<i32>} : memref<16x16x128xi32, #tpu.memory_space<vmem>>, vector<1x1x16xi32>,
      %get3A_1741 = vector.shape_cast %get3A_1740 : vector<1x1x16xi32> to vector<16xi32>
      %ne3A_1742 = arith.constant -1 : i32
      %ne3A_1743 = vector.broadcast %ne3A_1742 : i32 to vector<16xi32>
      %ne3A_1744 = arith.cmpi ne, %get3A_1741, %ne3A_1743 : vector<16xi32>
      %jit3A_1745 = arith.constant 1 : i32
      %jit3A_1746 = arith.constant 0 : i32
      %broadcast_in_dim3A_1747 = vector.broadcast %jit3A_1745 : i32 to vector<16xi32>
      %broadcast_in_dim3A_1748 = vector.broadcast %jit3A_1746 : i32 to vector<16xi32>
      %select_n3A_1749 = arith.select %ne3A_1744, %broadcast_in_dim3A_1747, %broadcast_in_dim3A_1748 : vector<16xi1>, vector<16xi32>
      %or3A_1750 = arith.ori %or3A_1735, %select_n3A_1749 : vector<16xi32>
      %get3A_1751 = arith.constant 15 : i32
      %get3A_1752 = arith.index_cast %scan3A_40 : i32 to index
      %get3A_1753 = arith.index_cast %get3A_1751 : i32 to index
      %get3A_1754 = arith.constant 96 : index
      %get3A_1755 = tpu.vector_load %arg4[%get3A_1752, %get3A_1753, %get3A_1754] {strides = array<i32>} : memref<16x16x128xi32, #tpu.memory_space<vmem>>, vector<1x1x16xi32>,
      %get3A_1756 = vector.shape_cast %get3A_1755 : vector<1x1x16xi32> to vector<16xi32>
      %ne3A_1757 = arith.constant -1 : i32
      %ne3A_1758 = vector.broadcast %ne3A_1757 : i32 to vector<16xi32>
      %ne3A_1759 = arith.cmpi ne, %get3A_1756, %ne3A_1758 : vector<16xi32>
      %jit3A_1760 = arith.constant 1 : i32
      %jit3A_1761 = arith.constant 0 : i32
      %broadcast_in_dim3A_1762 = vector.broadcast %jit3A_1760 : i32 to vector<16xi32>
      %broadcast_in_dim3A_1763 = vector.broadcast %jit3A_1761 : i32 to vector<16xi32>
      %select_n3A_1764 = arith.select %ne3A_1759, %broadcast_in_dim3A_1762, %broadcast_in_dim3A_1763 : vector<16xi1>, vector<16xi32>
      %or3A_1765 = arith.ori %or3A_1750, %select_n3A_1764 : vector<16xi32>
      %convert_element_type3A_1766 = arith.sitofp %or3A_1765 : vector<16xi32> to vector<16xf32>
      %swap3A_1767 = arith.index_cast %scan3A_40 : i32 to index
      %swap3A_1768 = arith.constant 96 : index
      %swap3A_1769 = tpu.vector_load %arg5[%swap3A_1767, %swap3A_1768] {strides = array<i32>} : memref<16x128xf32, #tpu.memory_space<vmem>>, vector<1x16xf32>,
      %swap3A_1770 = vector.shape_cast %swap3A_1769 : vector<1x16xf32> to vector<16xf32>
      %swap3A_1771 = vector.shape_cast %convert_element_type3A_1766 : vector<16xf32> to vector<1x16xf32>
      tpu.vector_store %arg5[%swap3A_1767, %swap3A_1768], %swap3A_1771 {strides = array<i32>} : memref<16x128xf32, #tpu.memory_space<vmem>>, vector<1x16xf32>,
      %broadcast_in_dim3A_1772 = arith.constant 0 : i32
      %broadcast_in_dim3A_1773 = vector.broadcast %broadcast_in_dim3A_1772 : i32 to vector<16xi32>
      %get3A_1774 = arith.constant 0 : i32
      %get3A_1775 = arith.index_cast %scan3A_40 : i32 to index
      %get3A_1776 = arith.index_cast %get3A_1774 : i32 to index
      %get3A_1777 = arith.constant 112 : index
      %get3A_1778 = tpu.vector_load %arg4[%get3A_1775, %get3A_1776, %get3A_1777] {strides = array<i32>} : memref<16x16x128xi32, #tpu.memory_space<vmem>>, vector<1x1x16xi32>,
      %get3A_1779 = vector.shape_cast %get3A_1778 : vector<1x1x16xi32> to vector<16xi32>
      %ne3A_1780 = arith.constant -1 : i32
      %ne3A_1781 = vector.broadcast %ne3A_1780 : i32 to vector<16xi32>
      %ne3A_1782 = arith.cmpi ne, %get3A_1779, %ne3A_1781 : vector<16xi32>
      %jit3A_1783 = arith.constant 1 : i32
      %jit3A_1784 = arith.constant 0 : i32
      %broadcast_in_dim3A_1785 = vector.broadcast %jit3A_1783 : i32 to vector<16xi32>
      %broadcast_in_dim3A_1786 = vector.broadcast %jit3A_1784 : i32 to vector<16xi32>
      %select_n3A_1787 = arith.select %ne3A_1782, %broadcast_in_dim3A_1785, %broadcast_in_dim3A_1786 : vector<16xi1>, vector<16xi32>
      %or3A_1788 = arith.ori %broadcast_in_dim3A_1773, %select_n3A_1787 : vector<16xi32>
      %get3A_1789 = arith.constant 1 : i32
      %get3A_1790 = arith.index_cast %scan3A_40 : i32 to index
      %get3A_1791 = arith.index_cast %get3A_1789 : i32 to index
      %get3A_1792 = arith.constant 112 : index
      %get3A_1793 = tpu.vector_load %arg4[%get3A_1790, %get3A_1791, %get3A_1792] {strides = array<i32>} : memref<16x16x128xi32, #tpu.memory_space<vmem>>, vector<1x1x16xi32>,
      %get3A_1794 = vector.shape_cast %get3A_1793 : vector<1x1x16xi32> to vector<16xi32>
      %ne3A_1795 = arith.constant -1 : i32
      %ne3A_1796 = vector.broadcast %ne3A_1795 : i32 to vector<16xi32>
      %ne3A_1797 = arith.cmpi ne, %get3A_1794, %ne3A_1796 : vector<16xi32>
      %jit3A_1798 = arith.constant 1 : i32
      %jit3A_1799 = arith.constant 0 : i32
      %broadcast_in_dim3A_1800 = vector.broadcast %jit3A_1798 : i32 to vector<16xi32>
      %broadcast_in_dim3A_1801 = vector.broadcast %jit3A_1799 : i32 to vector<16xi32>
      %select_n3A_1802 = arith.select %ne3A_1797, %broadcast_in_dim3A_1800, %broadcast_in_dim3A_1801 : vector<16xi1>, vector<16xi32>
      %or3A_1803 = arith.ori %or3A_1788, %select_n3A_1802 : vector<16xi32>
      %get3A_1804 = arith.constant 2 : i32
      %get3A_1805 = arith.index_cast %scan3A_40 : i32 to index
      %get3A_1806 = arith.index_cast %get3A_1804 : i32 to index
      %get3A_1807 = arith.constant 112 : index
      %get3A_1808 = tpu.vector_load %arg4[%get3A_1805, %get3A_1806, %get3A_1807] {strides = array<i32>} : memref<16x16x128xi32, #tpu.memory_space<vmem>>, vector<1x1x16xi32>,
      %get3A_1809 = vector.shape_cast %get3A_1808 : vector<1x1x16xi32> to vector<16xi32>
      %ne3A_1810 = arith.constant -1 : i32
      %ne3A_1811 = vector.broadcast %ne3A_1810 : i32 to vector<16xi32>
      %ne3A_1812 = arith.cmpi ne, %get3A_1809, %ne3A_1811 : vector<16xi32>
      %jit3A_1813 = arith.constant 1 : i32
      %jit3A_1814 = arith.constant 0 : i32
      %broadcast_in_dim3A_1815 = vector.broadcast %jit3A_1813 : i32 to vector<16xi32>
      %broadcast_in_dim3A_1816 = vector.broadcast %jit3A_1814 : i32 to vector<16xi32>
      %select_n3A_1817 = arith.select %ne3A_1812, %broadcast_in_dim3A_1815, %broadcast_in_dim3A_1816 : vector<16xi1>, vector<16xi32>
      %or3A_1818 = arith.ori %or3A_1803, %select_n3A_1817 : vector<16xi32>
      %get3A_1819 = arith.constant 3 : i32
      %get3A_1820 = arith.index_cast %scan3A_40 : i32 to index
      %get3A_1821 = arith.index_cast %get3A_1819 : i32 to index
      %get3A_1822 = arith.constant 112 : index
      %get3A_1823 = tpu.vector_load %arg4[%get3A_1820, %get3A_1821, %get3A_1822] {strides = array<i32>} : memref<16x16x128xi32, #tpu.memory_space<vmem>>, vector<1x1x16xi32>,
      %get3A_1824 = vector.shape_cast %get3A_1823 : vector<1x1x16xi32> to vector<16xi32>
      %ne3A_1825 = arith.constant -1 : i32
      %ne3A_1826 = vector.broadcast %ne3A_1825 : i32 to vector<16xi32>
      %ne3A_1827 = arith.cmpi ne, %get3A_1824, %ne3A_1826 : vector<16xi32>
      %jit3A_1828 = arith.constant 1 : i32
      %jit3A_1829 = arith.constant 0 : i32
      %broadcast_in_dim3A_1830 = vector.broadcast %jit3A_1828 : i32 to vector<16xi32>
      %broadcast_in_dim3A_1831 = vector.broadcast %jit3A_1829 : i32 to vector<16xi32>
      %select_n3A_1832 = arith.select %ne3A_1827, %broadcast_in_dim3A_1830, %broadcast_in_dim3A_1831 : vector<16xi1>, vector<16xi32>
      %or3A_1833 = arith.ori %or3A_1818, %select_n3A_1832 : vector<16xi32>
      %get3A_1834 = arith.constant 4 : i32
      %get3A_1835 = arith.index_cast %scan3A_40 : i32 to index
      %get3A_1836 = arith.index_cast %get3A_1834 : i32 to index
      %get3A_1837 = arith.constant 112 : index
      %get3A_1838 = tpu.vector_load %arg4[%get3A_1835, %get3A_1836, %get3A_1837] {strides = array<i32>} : memref<16x16x128xi32, #tpu.memory_space<vmem>>, vector<1x1x16xi32>,
      %get3A_1839 = vector.shape_cast %get3A_1838 : vector<1x1x16xi32> to vector<16xi32>
      %ne3A_1840 = arith.constant -1 : i32
      %ne3A_1841 = vector.broadcast %ne3A_1840 : i32 to vector<16xi32>
      %ne3A_1842 = arith.cmpi ne, %get3A_1839, %ne3A_1841 : vector<16xi32>
      %jit3A_1843 = arith.constant 1 : i32
      %jit3A_1844 = arith.constant 0 : i32
      %broadcast_in_dim3A_1845 = vector.broadcast %jit3A_1843 : i32 to vector<16xi32>
      %broadcast_in_dim3A_1846 = vector.broadcast %jit3A_1844 : i32 to vector<16xi32>
      %select_n3A_1847 = arith.select %ne3A_1842, %broadcast_in_dim3A_1845, %broadcast_in_dim3A_1846 : vector<16xi1>, vector<16xi32>
      %or3A_1848 = arith.ori %or3A_1833, %select_n3A_1847 : vector<16xi32>
      %get3A_1849 = arith.constant 5 : i32
      %get3A_1850 = arith.index_cast %scan3A_40 : i32 to index
      %get3A_1851 = arith.index_cast %get3A_1849 : i32 to index
      %get3A_1852 = arith.constant 112 : index
      %get3A_1853 = tpu.vector_load %arg4[%get3A_1850, %get3A_1851, %get3A_1852] {strides = array<i32>} : memref<16x16x128xi32, #tpu.memory_space<vmem>>, vector<1x1x16xi32>,
      %get3A_1854 = vector.shape_cast %get3A_1853 : vector<1x1x16xi32> to vector<16xi32>
      %ne3A_1855 = arith.constant -1 : i32
      %ne3A_1856 = vector.broadcast %ne3A_1855 : i32 to vector<16xi32>
      %ne3A_1857 = arith.cmpi ne, %get3A_1854, %ne3A_1856 : vector<16xi32>
      %jit3A_1858 = arith.constant 1 : i32
      %jit3A_1859 = arith.constant 0 : i32
      %broadcast_in_dim3A_1860 = vector.broadcast %jit3A_1858 : i32 to vector<16xi32>
      %broadcast_in_dim3A_1861 = vector.broadcast %jit3A_1859 : i32 to vector<16xi32>
      %select_n3A_1862 = arith.select %ne3A_1857, %broadcast_in_dim3A_1860, %broadcast_in_dim3A_1861 : vector<16xi1>, vector<16xi32>
      %or3A_1863 = arith.ori %or3A_1848, %select_n3A_1862 : vector<16xi32>
      %get3A_1864 = arith.constant 6 : i32
      %get3A_1865 = arith.index_cast %scan3A_40 : i32 to index
      %get3A_1866 = arith.index_cast %get3A_1864 : i32 to index
      %get3A_1867 = arith.constant 112 : index
      %get3A_1868 = tpu.vector_load %arg4[%get3A_1865, %get3A_1866, %get3A_1867] {strides = array<i32>} : memref<16x16x128xi32, #tpu.memory_space<vmem>>, vector<1x1x16xi32>,
      %get3A_1869 = vector.shape_cast %get3A_1868 : vector<1x1x16xi32> to vector<16xi32>
      %ne3A_1870 = arith.constant -1 : i32
      %ne3A_1871 = vector.broadcast %ne3A_1870 : i32 to vector<16xi32>
      %ne3A_1872 = arith.cmpi ne, %get3A_1869, %ne3A_1871 : vector<16xi32>
      %jit3A_1873 = arith.constant 1 : i32
      %jit3A_1874 = arith.constant 0 : i32
      %broadcast_in_dim3A_1875 = vector.broadcast %jit3A_1873 : i32 to vector<16xi32>
      %broadcast_in_dim3A_1876 = vector.broadcast %jit3A_1874 : i32 to vector<16xi32>
      %select_n3A_1877 = arith.select %ne3A_1872, %broadcast_in_dim3A_1875, %broadcast_in_dim3A_1876 : vector<16xi1>, vector<16xi32>
      %or3A_1878 = arith.ori %or3A_1863, %select_n3A_1877 : vector<16xi32>
      %get3A_1879 = arith.constant 7 : i32
      %get3A_1880 = arith.index_cast %scan3A_40 : i32 to index
      %get3A_1881 = arith.index_cast %get3A_1879 : i32 to index
      %get3A_1882 = arith.constant 112 : index
      %get3A_1883 = tpu.vector_load %arg4[%get3A_1880, %get3A_1881, %get3A_1882] {strides = array<i32>} : memref<16x16x128xi32, #tpu.memory_space<vmem>>, vector<1x1x16xi32>,
      %get3A_1884 = vector.shape_cast %get3A_1883 : vector<1x1x16xi32> to vector<16xi32>
      %ne3A_1885 = arith.constant -1 : i32
      %ne3A_1886 = vector.broadcast %ne3A_1885 : i32 to vector<16xi32>
      %ne3A_1887 = arith.cmpi ne, %get3A_1884, %ne3A_1886 : vector<16xi32>
      %jit3A_1888 = arith.constant 1 : i32
      %jit3A_1889 = arith.constant 0 : i32
      %broadcast_in_dim3A_1890 = vector.broadcast %jit3A_1888 : i32 to vector<16xi32>
      %broadcast_in_dim3A_1891 = vector.broadcast %jit3A_1889 : i32 to vector<16xi32>
      %select_n3A_1892 = arith.select %ne3A_1887, %broadcast_in_dim3A_1890, %broadcast_in_dim3A_1891 : vector<16xi1>, vector<16xi32>
      %or3A_1893 = arith.ori %or3A_1878, %select_n3A_1892 : vector<16xi32>
      %get3A_1894 = arith.constant 8 : i32
      %get3A_1895 = arith.index_cast %scan3A_40 : i32 to index
      %get3A_1896 = arith.index_cast %get3A_1894 : i32 to index
      %get3A_1897 = arith.constant 112 : index
      %get3A_1898 = tpu.vector_load %arg4[%get3A_1895, %get3A_1896, %get3A_1897] {strides = array<i32>} : memref<16x16x128xi32, #tpu.memory_space<vmem>>, vector<1x1x16xi32>,
      %get3A_1899 = vector.shape_cast %get3A_1898 : vector<1x1x16xi32> to vector<16xi32>
      %ne3A_1900 = arith.constant -1 : i32
      %ne3A_1901 = vector.broadcast %ne3A_1900 : i32 to vector<16xi32>
      %ne3A_1902 = arith.cmpi ne, %get3A_1899, %ne3A_1901 : vector<16xi32>
      %jit3A_1903 = arith.constant 1 : i32
      %jit3A_1904 = arith.constant 0 : i32
      %broadcast_in_dim3A_1905 = vector.broadcast %jit3A_1903 : i32 to vector<16xi32>
      %broadcast_in_dim3A_1906 = vector.broadcast %jit3A_1904 : i32 to vector<16xi32>
      %select_n3A_1907 = arith.select %ne3A_1902, %broadcast_in_dim3A_1905, %broadcast_in_dim3A_1906 : vector<16xi1>, vector<16xi32>
      %or3A_1908 = arith.ori %or3A_1893, %select_n3A_1907 : vector<16xi32>
      %get3A_1909 = arith.constant 9 : i32
      %get3A_1910 = arith.index_cast %scan3A_40 : i32 to index
      %get3A_1911 = arith.index_cast %get3A_1909 : i32 to index
      %get3A_1912 = arith.constant 112 : index
      %get3A_1913 = tpu.vector_load %arg4[%get3A_1910, %get3A_1911, %get3A_1912] {strides = array<i32>} : memref<16x16x128xi32, #tpu.memory_space<vmem>>, vector<1x1x16xi32>,
      %get3A_1914 = vector.shape_cast %get3A_1913 : vector<1x1x16xi32> to vector<16xi32>
      %ne3A_1915 = arith.constant -1 : i32
      %ne3A_1916 = vector.broadcast %ne3A_1915 : i32 to vector<16xi32>
      %ne3A_1917 = arith.cmpi ne, %get3A_1914, %ne3A_1916 : vector<16xi32>
      %jit3A_1918 = arith.constant 1 : i32
      %jit3A_1919 = arith.constant 0 : i32
      %broadcast_in_dim3A_1920 = vector.broadcast %jit3A_1918 : i32 to vector<16xi32>
      %broadcast_in_dim3A_1921 = vector.broadcast %jit3A_1919 : i32 to vector<16xi32>
      %select_n3A_1922 = arith.select %ne3A_1917, %broadcast_in_dim3A_1920, %broadcast_in_dim3A_1921 : vector<16xi1>, vector<16xi32>
      %or3A_1923 = arith.ori %or3A_1908, %select_n3A_1922 : vector<16xi32>
      %get3A_1924 = arith.constant 10 : i32
      %get3A_1925 = arith.index_cast %scan3A_40 : i32 to index
      %get3A_1926 = arith.index_cast %get3A_1924 : i32 to index
      %get3A_1927 = arith.constant 112 : index
      %get3A_1928 = tpu.vector_load %arg4[%get3A_1925, %get3A_1926, %get3A_1927] {strides = array<i32>} : memref<16x16x128xi32, #tpu.memory_space<vmem>>, vector<1x1x16xi32>,
      %get3A_1929 = vector.shape_cast %get3A_1928 : vector<1x1x16xi32> to vector<16xi32>
      %ne3A_1930 = arith.constant -1 : i32
      %ne3A_1931 = vector.broadcast %ne3A_1930 : i32 to vector<16xi32>
      %ne3A_1932 = arith.cmpi ne, %get3A_1929, %ne3A_1931 : vector<16xi32>
      %jit3A_1933 = arith.constant 1 : i32
      %jit3A_1934 = arith.constant 0 : i32
      %broadcast_in_dim3A_1935 = vector.broadcast %jit3A_1933 : i32 to vector<16xi32>
      %broadcast_in_dim3A_1936 = vector.broadcast %jit3A_1934 : i32 to vector<16xi32>
      %select_n3A_1937 = arith.select %ne3A_1932, %broadcast_in_dim3A_1935, %broadcast_in_dim3A_1936 : vector<16xi1>, vector<16xi32>
      %or3A_1938 = arith.ori %or3A_1923, %select_n3A_1937 : vector<16xi32>
      %get3A_1939 = arith.constant 11 : i32
      %get3A_1940 = arith.index_cast %scan3A_40 : i32 to index
      %get3A_1941 = arith.index_cast %get3A_1939 : i32 to index
      %get3A_1942 = arith.constant 112 : index
      %get3A_1943 = tpu.vector_load %arg4[%get3A_1940, %get3A_1941, %get3A_1942] {strides = array<i32>} : memref<16x16x128xi32, #tpu.memory_space<vmem>>, vector<1x1x16xi32>,
      %get3A_1944 = vector.shape_cast %get3A_1943 : vector<1x1x16xi32> to vector<16xi32>
      %ne3A_1945 = arith.constant -1 : i32
      %ne3A_1946 = vector.broadcast %ne3A_1945 : i32 to vector<16xi32>
      %ne3A_1947 = arith.cmpi ne, %get3A_1944, %ne3A_1946 : vector<16xi32>
      %jit3A_1948 = arith.constant 1 : i32
      %jit3A_1949 = arith.constant 0 : i32
      %broadcast_in_dim3A_1950 = vector.broadcast %jit3A_1948 : i32 to vector<16xi32>
      %broadcast_in_dim3A_1951 = vector.broadcast %jit3A_1949 : i32 to vector<16xi32>
      %select_n3A_1952 = arith.select %ne3A_1947, %broadcast_in_dim3A_1950, %broadcast_in_dim3A_1951 : vector<16xi1>, vector<16xi32>
      %or3A_1953 = arith.ori %or3A_1938, %select_n3A_1952 : vector<16xi32>
      %get3A_1954 = arith.constant 12 : i32
      %get3A_1955 = arith.index_cast %scan3A_40 : i32 to index
      %get3A_1956 = arith.index_cast %get3A_1954 : i32 to index
      %get3A_1957 = arith.constant 112 : index
      %get3A_1958 = tpu.vector_load %arg4[%get3A_1955, %get3A_1956, %get3A_1957] {strides = array<i32>} : memref<16x16x128xi32, #tpu.memory_space<vmem>>, vector<1x1x16xi32>,
      %get3A_1959 = vector.shape_cast %get3A_1958 : vector<1x1x16xi32> to vector<16xi32>
      %ne3A_1960 = arith.constant -1 : i32
      %ne3A_1961 = vector.broadcast %ne3A_1960 : i32 to vector<16xi32>
      %ne3A_1962 = arith.cmpi ne, %get3A_1959, %ne3A_1961 : vector<16xi32>
      %jit3A_1963 = arith.constant 1 : i32
      %jit3A_1964 = arith.constant 0 : i32
      %broadcast_in_dim3A_1965 = vector.broadcast %jit3A_1963 : i32 to vector<16xi32>
      %broadcast_in_dim3A_1966 = vector.broadcast %jit3A_1964 : i32 to vector<16xi32>
      %select_n3A_1967 = arith.select %ne3A_1962, %broadcast_in_dim3A_1965, %broadcast_in_dim3A_1966 : vector<16xi1>, vector<16xi32>
      %or3A_1968 = arith.ori %or3A_1953, %select_n3A_1967 : vector<16xi32>
      %get3A_1969 = arith.constant 13 : i32
      %get3A_1970 = arith.index_cast %scan3A_40 : i32 to index
      %get3A_1971 = arith.index_cast %get3A_1969 : i32 to index
      %get3A_1972 = arith.constant 112 : index
      %get3A_1973 = tpu.vector_load %arg4[%get3A_1970, %get3A_1971, %get3A_1972] {strides = array<i32>} : memref<16x16x128xi32, #tpu.memory_space<vmem>>, vector<1x1x16xi32>,
      %get3A_1974 = vector.shape_cast %get3A_1973 : vector<1x1x16xi32> to vector<16xi32>
      %ne3A_1975 = arith.constant -1 : i32
      %ne3A_1976 = vector.broadcast %ne3A_1975 : i32 to vector<16xi32>
      %ne3A_1977 = arith.cmpi ne, %get3A_1974, %ne3A_1976 : vector<16xi32>
      %jit3A_1978 = arith.constant 1 : i32
      %jit3A_1979 = arith.constant 0 : i32
      %broadcast_in_dim3A_1980 = vector.broadcast %jit3A_1978 : i32 to vector<16xi32>
      %broadcast_in_dim3A_1981 = vector.broadcast %jit3A_1979 : i32 to vector<16xi32>
      %select_n3A_1982 = arith.select %ne3A_1977, %broadcast_in_dim3A_1980, %broadcast_in_dim3A_1981 : vector<16xi1>, vector<16xi32>
      %or3A_1983 = arith.ori %or3A_1968, %select_n3A_1982 : vector<16xi32>
      %get3A_1984 = arith.constant 14 : i32
      %get3A_1985 = arith.index_cast %scan3A_40 : i32 to index
      %get3A_1986 = arith.index_cast %get3A_1984 : i32 to index
      %get3A_1987 = arith.constant 112 : index
      %get3A_1988 = tpu.vector_load %arg4[%get3A_1985, %get3A_1986, %get3A_1987] {strides = array<i32>} : memref<16x16x128xi32, #tpu.memory_space<vmem>>, vector<1x1x16xi32>,
      %get3A_1989 = vector.shape_cast %get3A_1988 : vector<1x1x16xi32> to vector<16xi32>
      %ne3A_1990 = arith.constant -1 : i32
      %ne3A_1991 = vector.broadcast %ne3A_1990 : i32 to vector<16xi32>
      %ne3A_1992 = arith.cmpi ne, %get3A_1989, %ne3A_1991 : vector<16xi32>
      %jit3A_1993 = arith.constant 1 : i32
      %jit3A_1994 = arith.constant 0 : i32
      %broadcast_in_dim3A_1995 = vector.broadcast %jit3A_1993 : i32 to vector<16xi32>
      %broadcast_in_dim3A_1996 = vector.broadcast %jit3A_1994 : i32 to vector<16xi32>
      %select_n3A_1997 = arith.select %ne3A_1992, %broadcast_in_dim3A_1995, %broadcast_in_dim3A_1996 : vector<16xi1>, vector<16xi32>
      %or3A_1998 = arith.ori %or3A_1983, %select_n3A_1997 : vector<16xi32>
      %get3A_1999 = arith.constant 15 : i32
      %get3A_2000 = arith.index_cast %scan3A_40 : i32 to index
      %get3A_2001 = arith.index_cast %get3A_1999 : i32 to index
      %get3A_2002 = arith.constant 112 : index
      %get3A_2003 = tpu.vector_load %arg4[%get3A_2000, %get3A_2001, %get3A_2002] {strides = array<i32>} : memref<16x16x128xi32, #tpu.memory_space<vmem>>, vector<1x1x16xi32>,
      %get3A_2004 = vector.shape_cast %get3A_2003 : vector<1x1x16xi32> to vector<16xi32>
      %ne3A_2005 = arith.constant -1 : i32
      %ne3A_2006 = vector.broadcast %ne3A_2005 : i32 to vector<16xi32>
      %ne3A_2007 = arith.cmpi ne, %get3A_2004, %ne3A_2006 : vector<16xi32>
      %jit3A_2008 = arith.constant 1 : i32
      %jit3A_2009 = arith.constant 0 : i32
      %broadcast_in_dim3A_2010 = vector.broadcast %jit3A_2008 : i32 to vector<16xi32>
      %broadcast_in_dim3A_2011 = vector.broadcast %jit3A_2009 : i32 to vector<16xi32>
      %select_n3A_2012 = arith.select %ne3A_2007, %broadcast_in_dim3A_2010, %broadcast_in_dim3A_2011 : vector<16xi1>, vector<16xi32>
      %or3A_2013 = arith.ori %or3A_1998, %select_n3A_2012 : vector<16xi32>
      %convert_element_type3A_2014 = arith.sitofp %or3A_2013 : vector<16xi32> to vector<16xf32>
      %swap3A_2015 = arith.index_cast %scan3A_40 : i32 to index
      %swap3A_2016 = arith.constant 112 : index
      %swap3A_2017 = tpu.vector_load %arg5[%swap3A_2015, %swap3A_2016] {strides = array<i32>} : memref<16x128xf32, #tpu.memory_space<vmem>>, vector<1x16xf32>,
      %swap3A_2018 = vector.shape_cast %swap3A_2017 : vector<1x16xf32> to vector<16xf32>
      %swap3A_2019 = vector.shape_cast %convert_element_type3A_2014 : vector<16xf32> to vector<1x16xf32>
      tpu.vector_store %arg5[%swap3A_2015, %swap3A_2016], %swap3A_2019 {strides = array<i32>} : memref<16x128xf32, #tpu.memory_space<vmem>>, vector<1x16xf32>,
    }
    %scan3A_39 = arith.constant 16 : i32
    "tpu.region"() ({
      %run_scoped3A = tpu.sem_alloc : memref<!tpu.dma_semaphore, #tpu.memory_space<semaphore_mem>>
      %dma_start3A = tpu.memref_slice %arg3[%mul3A_18, %mul3A_34] : memref<64x1024xf32, #tpu.memory_space<hbm>> -> memref<16x128xf32, #tpu.memory_space<hbm>>
      %dma_start3A_40 = tpu.memref_slice %arg3[%mul3A_18, %mul3A_34] : memref<64x1024xf32, #tpu.memory_space<hbm>> -> memref<16x128xf32, #tpu.memory_space<hbm>>
      tpu.enqueue_dma source(%arg5 : memref<16x128xf32, #tpu.memory_space<vmem>>) target(%dma_start3A_40 : memref<16x128xf32, #tpu.memory_space<hbm>>) target_semaphore(%run_scoped3A : memref<!tpu.dma_semaphore, #tpu.memory_space<semaphore_mem>>)
      %dma_wait3A = tpu.memref_slice %arg3[%mul3A_18, %mul3A_34] : memref<64x1024xf32, #tpu.memory_space<hbm>> -> memref<16x128xf32, #tpu.memory_space<hbm>>
      %dma_wait3A_41 = tpu.memref_slice %arg3[%mul3A_18, %mul3A_34] : memref<64x1024xf32, #tpu.memory_space<hbm>> -> memref<16x128xf32, #tpu.memory_space<hbm>>
      tpu.wait_dma2 semaphore(%run_scoped3A : memref<!tpu.dma_semaphore, #tpu.memory_space<semaphore_mem>>) src(%arg5 : memref<16x128xf32, #tpu.memory_space<vmem>>) dst(%dma_wait3A_41 : memref<16x128xf32, #tpu.memory_space<hbm>>)
      tpu.yield
    }) : () -> ()
    return
  }
}

module attributes {stable_mosaic.version = 14 : i64} {
  func.func @_tc_body(%arg0: i32, %arg1: memref<64x128xf32, #tpu.memory_space<vmem>>, %arg2: memref<128x64x128xf32, #tpu.memory_space<vmem>>, %arg3: memref<64x16x16x128xf32, #tpu.memory_space<vmem>>, %arg4: memref<128x128xf32, #tpu.memory_space<vmem>>, %arg5: memref<16x128xf32, #tpu.memory_space<vmem>>, %arg6: memref<1x128xf32, #tpu.memory_space<vmem>>, %arg7: memref<128x128xf32, #tpu.memory_space<vmem>>) attributes {dimension_semantics = [#tpu.dimension_semantics<arbitrary>], iteration_bounds = array<i64: 8>, scalar_prefetch = 0 : i64, scratch_operands = 0 : i64, tpu.core_type = #tpu.core_type<tc>, window_params = [{transform_indices = @transform_0, window_bounds = array<i64: 64, 128>}, {transform_indices = @transform_1, window_bounds = array<i64: 128, 64, 128>}, {transform_indices = @transform_2, window_bounds = array<i64: 64, 16, 16, 128>}, {pipeline_mode = #tpu.pipeline_mode<synchronous>, transform_indices = @transform_3, window_bounds = array<i64: 128, 128>}, {pipeline_mode = #tpu.pipeline_mode<synchronous>, transform_indices = @transform_4, window_bounds = array<i64: 16, 128>}, {pipeline_mode = #tpu.pipeline_mode<synchronous>, transform_indices = @transform_5, window_bounds = array<i64: 1, 128>}, {transform_indices = @transform_6, window_bounds = array<i64: 128, 128>}]} {
    %get3A = arith.constant 0 : index
    %get3A_0 = arith.constant 0 : index
    %get3A_1 = vector.load %arg1[%get3A, %get3A_0] : memref<64x128xf32, #tpu.memory_space<vmem>>, vector<64x128xf32>
    %get3A_2 = arith.constant 0 : index
    %get3A_3 = arith.constant 0 : index
    %get3A_4 = arith.constant 0 : index
    %get3A_5 = arith.constant 0 : index
    %get3A_6 = vector.load %arg3[%get3A_2, %get3A_3, %get3A_4, %get3A_5] : memref<64x16x16x128xf32, #tpu.memory_space<vmem>>, vector<64x16x16x128xf32>
    %broadcast_in_dim3A = vector.shape_cast %get3A_1 : vector<64x128xf32> to vector<64x1x1x128xf32>
    %mul3A = vector.broadcast %broadcast_in_dim3A : vector<64x1x1x128xf32> to vector<64x16x16x128xf32>
    %mul3A_7 = arith.mulf %get3A_6, %mul3A : vector<64x16x16x128xf32>
    %reduce_sum3A = arith.constant dense<0.000000e+00> : vector<16x128xf32>
    %reduce_sum3A_8 = vector.multi_reduction <add>, %mul3A_7, %reduce_sum3A [0, 1] : vector<64x16x16x128xf32> to vector<16x128xf32>
    %transpose3A = tpu.transpose %get3A_1, [1, 0] : vector<64x128xf32> -> vector<128x64xf32>
    %get3A_9 = arith.constant 0 : index
    %get3A_10 = arith.constant 0 : index
    %get3A_11 = arith.constant 0 : index
    %get3A_12 = vector.load %arg2[%get3A_9, %get3A_10, %get3A_11] : memref<128x64x128xf32, #tpu.memory_space<vmem>>, vector<128x64x128xf32>
    %broadcast_in_dim3A_13 = vector.shape_cast %transpose3A : vector<128x64xf32> to vector<128x64x1xf32>
    %mul3A_14 = vector.broadcast %broadcast_in_dim3A_13 : vector<128x64x1xf32> to vector<128x64x128xf32>
    %mul3A_15 = arith.mulf %get3A_12, %mul3A_14 : vector<128x64x128xf32>
    %reduce_sum3A_16 = arith.constant dense<0.000000e+00> : vector<128x128xf32>
    %reduce_sum3A_17 = vector.multi_reduction <add>, %mul3A_15, %reduce_sum3A_16 [1] : vector<128x64x128xf32> to vector<128x128xf32>
    %reduce_sum3A_18 = arith.constant dense<0.000000e+00> : vector<128xf32>
    %reduce_sum3A_19 = vector.multi_reduction <add>, %transpose3A, %reduce_sum3A_18 [1] : vector<128x64xf32> to vector<128xf32>
    %get3A_20 = arith.constant 0 : index
    %get3A_21 = arith.constant 0 : index
    %get3A_22 = vector.load %arg4[%get3A_20, %get3A_21] : memref<128x128xf32, #tpu.memory_space<vmem>>, vector<128x128xf32>
    %dot_general3A = arith.constant dense<0.000000e+00> : vector<128x128xf32>
    %dot_general3A_23 = tpu.matmul %reduce_sum3A_17, %get3A_22, %dot_general3A {dimension_numbers = #tpu.dot_dimension_numbers<[1], [0], [0], [1], [0, 0, 1, 1], [], []>, transpose_lhs_hint = false} : vector<128x128xf32>, vector<128x128xf32>, vector<128x128xf32> -> vector<128x128xf32>
    %get3A_24 = arith.constant 0 : index
    %get3A_25 = arith.constant 0 : index
    %get3A_26 = vector.load %arg5[%get3A_24, %get3A_25] : memref<16x128xf32, #tpu.memory_space<vmem>>, vector<16x128xf32>
    %dot_general3A_27 = arith.constant dense<0.000000e+00> : vector<128x128xf32>
    %dot_general3A_28 = tpu.matmul %reduce_sum3A_8, %get3A_26, %dot_general3A_27 {dimension_numbers = #tpu.dot_dimension_numbers<[0], [0], [1], [1], [0, 1, 1, 1], [], []>, transpose_lhs_hint = false} : vector<16x128xf32>, vector<16x128xf32>, vector<128x128xf32> -> vector<128x128xf32>
    %add3A = arith.addf %dot_general3A_23, %dot_general3A_28 : vector<128x128xf32>
    %broadcast_in_dim3A_29 = vector.shape_cast %reduce_sum3A_19 : vector<128xf32> to vector<128x1xf32>
    %get3A_30 = arith.constant 0 : index
    %get3A_31 = arith.constant 0 : index
    %get3A_32 = vector.load %arg6[%get3A_30, %get3A_31] : memref<1x128xf32, #tpu.memory_space<vmem>>, vector<1x128xf32>
    %mul3A_33 = vector.broadcast %broadcast_in_dim3A_29 : vector<128x1xf32> to vector<128x128xf32>
    %mul3A_34 = vector.broadcast %get3A_32 : vector<1x128xf32> to vector<128x128xf32>
    %mul3A_35 = arith.mulf %mul3A_33, %mul3A_34 : vector<128x128xf32>
    %add3A_36 = arith.addf %add3A, %mul3A_35 : vector<128x128xf32>
    %swap3A = arith.constant 0 : index
    %swap3A_37 = arith.constant 0 : index
    %swap3A_38 = vector.load %arg7[%swap3A, %swap3A_37] : memref<128x128xf32, #tpu.memory_space<vmem>>, vector<128x128xf32>
    tpu.vector_store %arg7[%swap3A, %swap3A_37], %add3A_36 {strides = array<i32>} : memref<128x128xf32, #tpu.memory_space<vmem>>, vector<128x128xf32>,
    return
  }
  func.func @transform_0(%arg0: i32) -> (i32, i32) {
    %c0_i32 = arith.constant 0 : i32
    %c0_i32_0 = arith.constant 0 : i32
    return %c0_i32, %arg0 : i32, i32
  }
  func.func @transform_1(%arg0: i32) -> (i32, i32, i32) {
    %c0_i32 = arith.constant 0 : i32
    %c0_i32_0 = arith.constant 0 : i32
    %c0_i32_1 = arith.constant 0 : i32
    return %arg0, %c0_i32, %c0_i32_0 : i32, i32, i32
  }
  func.func @transform_2(%arg0: i32) -> (i32, i32, i32, i32) {
    %c0_i32 = arith.constant 0 : i32
    %c0_i32_0 = arith.constant 0 : i32
    %c0_i32_1 = arith.constant 0 : i32
    %c0_i32_2 = arith.constant 0 : i32
    return %c0_i32, %c0_i32_0, %c0_i32_1, %arg0 : i32, i32, i32, i32
  }
  func.func @transform_3(%arg0: i32) -> (i32, i32) {
    %c0_i32 = arith.constant 0 : i32
    %c0_i32_0 = arith.constant 0 : i32
    %c0_i32_1 = arith.constant 0 : i32
    return %c0_i32, %c0_i32_0 : i32, i32
  }
  func.func @transform_4(%arg0: i32) -> (i32, i32) {
    %c0_i32 = arith.constant 0 : i32
    %c0_i32_0 = arith.constant 0 : i32
    %c0_i32_1 = arith.constant 0 : i32
    return %c0_i32, %c0_i32_0 : i32, i32
  }
  func.func @transform_5(%arg0: i32) -> (i32, i32) {
    %c0_i32 = arith.constant 0 : i32
    %c0_i32_0 = arith.constant 0 : i32
    %c0_i32_1 = arith.constant 0 : i32
    return %c0_i32, %c0_i32_0 : i32, i32
  }
  func.func @transform_6(%arg0: i32) -> (i32, i32) {
    %c0_i32 = arith.constant 0 : i32
    %c0_i32_0 = arith.constant 0 : i32
    return %arg0, %c0_i32 : i32, i32
  }
}

</mosaic_0001>

<sc_bundles>
// kernel: kernel.4.cloned.1.call-start
scs
__scs_entry_jumppad:
0x0: {  	(pc) =	sbr.rel $0x88, $3  }
0x1: {  	(tag) =	ssettag $0x0;
	lr =	simm.s32 $0x1  }
0x2: {  	[smem:$0x3F9C] =	sst lr;
	_ =	strace $0xD0000000  }
0x3: {  	_ = 	snop  }
0x4: {  	_ = 	snop  }
0x5: {  	_ = 	snop  }
0x6: {  	_ = 	snop  }
0x7: {  	_ = 	snop  }
__scs_overlays_trampoline_lowered:
0x8: {  	[smem:$0x3FAB] =	sst s0  }
0x9: {  	[smem:$0x3FAC] =	sst s1  }
0xa: {  	[smem:$0x3FAD] =	sst s2  }
0xb: {  	[smem:$0x3FAE] =	sst s3  }
0xc: {  	[smem:$0x3FAF] =	sst s4  }
0xd: {  	[smem:$0x3FB0] =	sst s5  }
0xe: {  	[smem:$0x3FB1] =	sst s6  }
0xf: {  	[smem:$0x3FB2] =	sst s7  }
0x10: {  	[smem:$0x3FB3] =	sst s8  }
0x11: {  	[smem:$0x3FB4] =	sst s9;
	s0 =	simm.s32 @!p0 $0x0  }
0x12: {  	s1 =	sld [smem:$0x3F9A];
	s0 =	simm.s32 @p0 $0x1  }
0x13: {  	[smem:$0x3FB5] =	sst s0;
	s0 =	simm.s32 @!p1 $0x0  }
0x14: {  	s2 =	sld [smem:$0x3F99];
	s0 =	simm.s32 @p1 $0x1  }
0x15: {  	[smem:$0x3FB6] =	sst s0;
	s0 =	simm.s32 @!p2 $0x0  }
0x16: {  	s3 =	sld [smem:$0x3FDB];
	s0 =	simm.s32 @p2 $0x1  }
0x17: {  	s4 =	simm.s32 $0x1BF5;
	[smem:$0x3FB8] =	sst s0  }
0x18: {  	s0 =	sld [smem:$0x3F9B];
	_ =	swait.ge [sflag:s4], $0x0  }
0x19: {  	s7 =	sld [smem:$0x3F9C]  }
0x1a: {  	s8 =	sadd.s32 $0xFFFFE003, lr  }
0x1b: {  	s9 =	sadd.s32 $0xFFFFFEF7, lr;
	s5 =	simm.s32 $0xFFFFFFFF;
	p2 =	slt.u32 s8, $0xFFFFF086  }
0x1c: {  	p1 =	slt.u32 s9, $0xF7A;
	s5 =	simm.s32 @!p2 $0x0  }
0x1d: {  	s5 =	simm.s32 @p1 $0x1;
	p0 =	seq.s32 s7, s2  }
0x1e: {  	s7 =	smul.u32 @!p0 $0xF7A, s2;
	p2 =	seq.s32 @!p0 s5, $0x0  }
0x1f: {  	s9 =	smul.u32 $0xF7A, s1;
	s8 =	simm.s32 @!p0 $0x1BF5;
	p2 =	por !p2, p0  }
0x20: {  	[sflag:s8] =	ssyncset.s32 @!p0 $0xFFFFF086;
	s6 =	sadd.s32 @!p0 s3, s7;
	s7 =	simm.s32 @!p0 $0x108  }
0x21: {  	s3 =	sadd.s32 s3, s9;
	s6 =	sadd.s32 @!p0 $0x88, s6;
	s7 =	simm.s32 @p2 $0x1082  }
0x22: {  	[simem:s7], [sflag:s8] =	dma.local @!p0 [hbm:s6], $0xF7A  }
0x23: {  	s9 =	sor.u32 $0xD0000000, s2;
	s6 =	simm.s32 $0x108;
	_ =	swait.ge @!p0 [sflag:s8], $0x0  }
0x24: {  	s3 =	sadd.s32 $0x88, s3;
	s6 =	simm.s32 @!p1 $0x1082;
	[sflag:s4] =	ssyncset.s32 $0xFFFFF086  }
0x25: {  	[simem:s6], [sflag:s4] =	dma.local [hbm:s3], $0xF7A  }
0x26: {  	[smem:$0x3F9C] =	sst s1;
	(tag) =	ssettag s2;
	_ =	strace s9  }
0x27: {  	s1 =	sld [smem:$0x3FAC]  }
0x28: {  	s2 =	sld [smem:$0x3FAD]  }
0x29: {  	s4 =	sld [smem:$0x3FAF]  }
0x2a: {  	p0 =	seq.s32 s5, $0x0;
	s5 =	sld [smem:$0x3FB0]  }
0x2b: {  	s6 =	sld [smem:$0x3FB1]  }
0x2c: {  	s7 =	sld [smem:$0x3FB2]  }
0x2d: {  	s3 =	simm.s32 $0x108;
	s8 =	sld [smem:$0x3FB3]  }
0x2e: {  	s3 =	simm.s32 @!p0 $0x1082;
	s9 =	sld [smem:$0x3FB4]  }
0x2f: {  	lr =	sadd.s32 s0, s3;
	s0 =	sld [smem:$0x3FAB]  }
0x30: {  	s3 =	sld [smem:$0x3FAE]  }
0x31: {  	[smem:$0x3FB7] =	sst s10  }
0x32: {  	s10 =	sld [smem:$0x3FB5];
	_ =	sdelay $0x3  }
0x33: {  	p0 =	seq.s32 s10, $0x1;
	s10 =	sld [smem:$0x3FB7];
	_ =	sdelay $0x3  }
0x34: {  	[smem:$0x3FB7] =	sst s10  }
0x35: {  	s10 =	sld [smem:$0x3FB6];
	_ =	sdelay $0x3  }
0x36: {  	p1 =	seq.s32 s10, $0x1;
	s10 =	sld [smem:$0x3FB7];
	_ =	sdelay $0x3  }
0x37: {  	[smem:$0x3FB7] =	sst s10  }
0x38: {  	s10 =	sld [smem:$0x3FB8]  }
0x39: {  	_ = 	snop;
	(pc) =	sbr.ind lr, $3  }
0x3a: {  	_ = 	snop  }
0x3b: {  	_ = 	snop  }
0x3c: {  	p2 =	seq.s32 s10, $0x1;
	s10 =	sld [smem:$0x3FB7]  }
0x3d: {  	_ =	shalt  }
0x3e: {  	_ =	shalt  }
0x3f: {  	_ =	shalt  }
0x40: {  	_ =	shalt  }
0x41: {  	_ =	shalt  }
0x42: {  	_ =	shalt  }
0x43: {  	_ =	shalt  }
0x44: {  	_ =	shalt  }
0x45: {  	_ =	shalt  }
0x46: {  	_ =	shalt  }
0x47: {  	_ =	shalt  }
0x48: {  	_ =	shalt  }
0x49: {  	_ =	shalt  }
0x4a: {  	_ =	shalt  }
0x4b: {  	_ =	shalt  }
0x4c: {  	_ =	shalt  }
0x4d: {  	_ =	shalt  }
0x4e: {  	_ =	shalt  }
0x4f: {  	_ =	shalt  }
0x50: {  	_ =	shalt  }
0x51: {  	_ =	shalt  }
0x52: {  	_ =	shalt  }
0x53: {  	_ =	shalt  }
0x54: {  	_ =	shalt  }
0x55: {  	_ =	shalt  }
0x56: {  	_ =	shalt  }
0x57: {  	_ =	shalt  }
0x58: {  	_ =	shalt  }
0x59: {  	_ =	shalt  }
0x5a: {  	_ =	shalt  }
0x5b: {  	_ =	shalt  }
0x5c: {  	_ =	shalt  }
0x5d: {  	_ =	shalt  }
0x5e: {  	_ =	shalt  }
0x5f: {  	_ =	shalt  }
0x60: {  	_ =	shalt  }
0x61: {  	_ =	shalt  }
0x62: {  	_ =	shalt  }
0x63: {  	_ =	shalt  }
0x64: {  	_ =	shalt  }
0x65: {  	_ =	shalt  }
0x66: {  	_ =	shalt  }
0x67: {  	_ =	shalt  }
0x68: {  	_ =	shalt  }
0x69: {  	_ =	shalt  }
0x6a: {  	_ =	shalt  }
0x6b: {  	_ =	shalt  }
0x6c: {  	_ =	shalt  }
0x6d: {  	_ =	shalt  }
0x6e: {  	_ =	shalt  }
0x6f: {  	_ =	shalt  }
0x70: {  	_ =	shalt  }
0x71: {  	_ =	shalt  }
0x72: {  	_ =	shalt  }
0x73: {  	_ =	shalt  }
0x74: {  	_ =	shalt  }
0x75: {  	_ =	shalt  }
0x76: {  	_ =	shalt  }
0x77: {  	_ =	shalt  }
0x78: {  	_ =	shalt  }
0x79: {  	_ =	shalt  }
0x7a: {  	_ =	shalt  }
0x7b: {  	_ =	shalt  }
0x7c: {  	_ =	shalt  }
0x7d: {  	_ =	shalt  }
0x7e: {  	_ =	shalt  }
0x7f: {  	_ =	shalt  }
0x80: {  	_ =	shalt  }
0x81: {  	_ =	shalt  }
0x82: {  	_ =	shalt  }
0x83: {  	_ =	shalt  }
0x84: {  	_ =	shalt  }
0x85: {  	_ =	shalt  }
0x86: {  	_ =	shalt  }
0x87: {  	_ =	shalt  }
.Lfunc_end0:
.L_simem_size_0:
called_computation_lowered:
.L_overlay_start_0:
0x88: {  	s2 =	sld [smem:$0x3FD9]  }
0x89: {  	s3 =	sld [smem:$0x3FFE];
	_ =	sdelay $0x1  }
0x8a: {  	s1 =	srdreg.scid  }
0x8b: {  	s0 =	sand.u32 $0x1, s1  }
0x8c: {  	s18 =	sshll.u32 s0, $0xA;
	s2 =	sadd.s32 s3, s2  }
0x8d: {  	s2 =	sadd.s32 s2, s18  }
0x8e: {  	[smem:$0x3FC3] =	sst s2  }
0x8f: {  	_ = 	snop  }
0x90: {  	s2 =	sld [smem:$0x3FC7]  }
0x91: {  	s19 =	sld [smem:$0x3FD0];
	(tm) =	ssettm $0x1  }
0x92: {  	s4 =	sld [smem:$0x3FFB];
	_ =	sdelay $0x3  }
0x93: {  	_ =	strace s4  }
0x94: {  	s4 =	sld [smem:$0x3FFC];
	_ =	sdelay $0x3  }
0x95: {  	_ =	strace s4  }
0x96: {  	s4 =	sld [smem:$0x3FFD];
	_ =	sdelay $0x3  }
0x97: {  	_ =	strace s4  }
0x98: {  	_ =	strace $0x8FFFFFFF  }
0x99: {  	s20 =	sld [smem:$0x3FDB];
	_ =	sdelay $0x1  }
0x9a: {  	s5 =	simm.s32 $_scs_section_size  }
0x9b: {  	s6 =	simm.s32 $_size__tile_overlayer_lowered;
	s7 =	simm.s32 $_tile_overlayer_lowered  }
0x9c: {  	s23 =	simm.s32 $0x1BFF;
	s22 =	sshll.u32 s7, $0x1;
	s4 =	sadd.s32 s5, s20  }
0x9d: {  	s8 =	simm.s32 $0x0;
	s21 =	sshll.u32 s6, $0x1;
	s6 =	sadd.s32 s22, s4  }
0x9e: {  	[timem:s8], [sflag:s23] =	dma.local [hbm:s6], s21  }
0x9f: {  	_ =	swait.ge [sflag:s23], s21  }
0xa0: {  	s5 =	ssub.s32 $0x0, s21;
	[sflag:s23] =	ssyncset.done $0x0  }
0xa1: {  	[sflag:s23] =	ssyncadd.s32 s5;
	_ =	sdelay $0x1  }
0xa2: {  	s24 =	simm.s32 $0x1B8B  }
0xa3: {  	_ =	swait.ge [sflag:s24], $0x1  }
0xa4: {  	[sflag:s24] =	ssyncset.done $0x0  }
0xa5: {  	s25 =	simm.s32 $0x1B8E;
	[sflag:s24] =	ssyncadd.s32 $0xFFFFFFFF  }
0xa6: {  	s26 =	simm.s32 $execute0_lowered;
	[smem:$0x3FD2] =	sst s25  }
0xa7: {  	s5 =	sshll.u32 s26, $0x1;
	_ =	strace $0x80000046;
	[dreg:$0x1] =	wrdreg $0xFFFFFFFF  }
0xa8: {  	s28 =	simm.s32 $_size_execute0_lowered;
	s4 =	sadd.s32 s4, s5;
	[dreg:$0x0] =	wrdreg $0x0  }
0xa9: {  	s5 =	sshll.u32 s28, $0x1;
	[dreg:$0x2] =	wrdreg s4  }
0xaa: {  	[dreg:$0x3] =	wrdreg s5  }
0xab: {  	[dreg:$0x4] =	wrdreg $0xC0  }
0xac: {  	_ =	task [dreg:s8], $0x5FFFF  }
0xad: {  	[dreg:$0x1] =	wrdreg $0xFFFFFFFF  }
0xae: {  	[dreg:$0x0] =	wrdreg $0x60  }
0xaf: {  	[dreg:$0x2] =	wrdreg s2  }
0xb0: {  	[dreg:$0x3] =	wrdreg s19  }
0xb1: {  	[dreg:$0x4] =	wrdreg $0x9  }
0xb2: {  	_ =	task.clear_ibuf [dreg:s8], $0x5FFFF;
	_ =	strace $0x90000046  }
0xb3: {  	s29 =	simm.s32 $0x9;
	_ =	strace $0x80000048  }
0xb4: {  	_ =	swait.ge [sflag:s29], $0x1  }
0xb5: {  	[sflag:s29] =	ssyncadd.s32 $0xFFFFFFFF  }
0xb6: {  	_ =	strace $0x90000048  }
0xb7: {  	_ =	sfence  }
0xb8: {  	s30 =	sld [smem:$0x0];
	_ =	sdelay $0x2  }
0xb9: {  	s31 =	sshll.u32 s1, $0xD;
	s1 =	sshrl.u32 s1, $0x2  }
0xba: {  	s3 =	sand.u32 $0x4000, s31;
	s1 =	sadd.s32 s1, s30  }
0xbb: {  	s0 =	sor.u32 s3, s0;
	s1 =	sshll.u32 s1, $0x11  }
0xbc: {  	s0 =	sor.u32 s1, s0  }
0xbd: {  	s0 =	sadd.s32 $0x8F2B, s0  }
0xbe: {  	[sflag:s0] =	ssyncadd.remote.s32 $0x1  }
0xbf: {  	_ =	sfence.sel $0xFFFF  }
0xc0: {  	[dreg:$0x0] =	wrdreg $0xFFFFFFFF;
	(pc) =	sbr.abs _section_cstart, $3  }
0xc1: {  	[dreg:$0x1] =	wrdreg $0xFFFFFFFF  }
0xc2: {  	_ =	task.clear_ibuf [dreg:s8], $0x2FFFF;
	_ =	strace $0x9FFFFFFF  }
0xc3: {  	(tm) =	ssettm $0x7FFFFFFF  }
tec
execute0_lowered:
.L_overlay_start_1:
0x0: {  	(tag) =	ssettag $0x1  }
0x1: {  	s3 =	rddreg [dreg:$0x0]  }
0x2: {  	s4 =	rddreg [dreg:$0x1]  }
0x3: {  	s0 =	rddreg [dreg:$0x2];
	s1 =	stileid.u32  }
0x4: {  	s2 =	simm.s32 $0x0;
	s5 =	srdreg.scid;
	s9 =	simm.s32 $0x8000  }
0x5: {  	s10 =	simm.s32 $0x0;
	s6 =	sshll.u32 s1, $0x1;
	[smem:$0x7FF] =	sst s2  }
0x6: {  	s5 =	sand.u32 $0x1, s5;
	s7 =	sshrl.u32 s1, $0x2;
	s6 =	sand.u32 $0x6, s6  }
0x7: {  	_ =	strace $0x80000047;
	s8 =	sshll.u32 s7, $0x12;
	s6 =	sor.u32 s5, s6  }
0x8: {  	s7 =	sshll.u32 s7, $0xE;
	s5 =	ssub.s32 $0x2, s5;
	s6 =	sshll.u32 s6, $0xA  }
0x9: {  	s31 =	sshrl.u32 s5, $0x1;
	s8 =	sor.u32 s8, s6;
	s6 =	sor.u32 s7, s6  }
0xa: {  	s5 =	ssub.s32 s5, s31;
	s7 =	simm.s32 $0x1;
	s8 =	sshrl.u32 s8, $0x3  }
0xb: {  	s6 =	sshrl.u32 s6, $0x3;
	s5 =	smax.u32 s5, $0x1;
	s3 =	sadd.s32 s3, s8  }
0xc: {  	v0 =	vimm.s32 $0x0;
	s4 =	sadd.s32 s4, s6;
	s6 =	simm.s32 $0x2000;
	s8 =	simm.s32 $0x400  }
.LBB2_1:
0xd: {  	[tilespmem:s2], [sflag:$0x1] =	stream.strided.gather [hbm4b:s3+s8], $0x8000, s6, s8, $0x38;
	[tilespmem:$0x8800] =	vst v63  }
0xe: {  	_ =	swait.ge [sflag:s7], $0x8000  }
0xf: {  	[sflag:s7] =	ssyncset.done $0x0  }
0x10: {  	[sflag:s7] =	ssyncadd.s32 $0xFFFF8000  }
0x11: {  	v1 =	vld [tilespmem:s8+$0xFFFFFC80]  }
0x12: {  	v2 =	vld [tilespmem:s8+$0xFFFFFC00]  }
0x13: {  	v3 =	vld [tilespmem:s8+$0xFFFFFD00]  }
0x14: {  	v4 =	vld [tilespmem:s8+$0xFFFFFD80]  }
0x15: {  	v5 =	vld [tilespmem:s8+$0xFFFFFE00]  }
0x16: {  	v6 =	vld [tilespmem:s8+$0xFFFFFE80]  }
0x17: {  	v1 =	vand.u32 v2, v1;
	v2 =	vld [tilespmem:s8+$0xFFFFFF00]  }
0x18: {  	v1 =	vand.u32 v3, v1;
	v3 =	vld [tilespmem:s8+$0xFFFFFF80]  }
0x19: {  	v1 =	vand.u32 v4, v1;
	v4 =	vld [tilespmem:s8+$0x0]  }
0x1a: {  	v1 =	vand.u32 v5, v1;
	v5 =	vld [tilespmem:s8+$0x80]  }
0x1b: {  	v1 =	vand.u32 v6, v1;
	v6 =	vld [tilespmem:s8+$0x100]  }
0x1c: {  	v1 =	vand.u32 v2, v1;
	v2 =	vld [tilespmem:s8+$0x180]  }
0x1d: {  	v1 =	vand.u32 v3, v1;
	v3 =	vld [tilespmem:s8+$0x200]  }
0x1e: {  	v1 =	vand.u32 v4, v1;
	v4 =	vld [tilespmem:s8+$0x280]  }
0x1f: {  	v1 =	vand.u32 v5, v1;
	v5 =	vld [tilespmem:s8+$0x300]  }
0x20: {  	v1 =	vand.u32 v6, v1;
	v6 =	vld [tilespmem:s8+$0x380]  }
0x21: {  	v1 =	vand.u32 v2, v1  }
0x22: {  	v1 =	vand.u32 v3, v1  }
0x23: {  	v1 =	vand.u32 v4, v1  }
0x24: {  	v1 =	vand.u32 v5, v1  }
0x25: {  	v1 =	vand.u32 v6, v1  }
0x26: {  	vm0 =	vne.s32 v1, $0xFFFFFFFF  }
0x27: {  	s11 =	simm.s32 $0x0;
	v1 =	vsel vm0, $0x3F800000, v0  }
0x28: {  	[tilespmem:s11+$0x8000] =	vst v1  }
0x29: {  	v1 =	vld [tilespmem:s8+$0xFFFFFC10]  }
0x2a: {  	v2 =	vld [tilespmem:s8+$0xFFFFFC90]  }
0x2b: {  	v3 =	vld [tilespmem:s8+$0xFFFFFD10]  }
0x2c: {  	v4 =	vld [tilespmem:s8+$0xFFFFFD90]  }
0x2d: {  	v5 =	vld [tilespmem:s8+$0xFFFFFE10]  }
0x2e: {  	v6 =	vld [tilespmem:s8+$0xFFFFFE90]  }
0x2f: {  	v1 =	vand.u32 v1, v2;
	v2 =	vld [tilespmem:s8+$0xFFFFFF10]  }
0x30: {  	v1 =	vand.u32 v3, v1;
	v3 =	vld [tilespmem:s8+$0xFFFFFF90]  }
0x31: {  	v1 =	vand.u32 v4, v1;
	v4 =	vld [tilespmem:s8+$0x10]  }
0x32: {  	v1 =	vand.u32 v5, v1;
	v5 =	vld [tilespmem:s8+$0x90]  }
0x33: {  	v1 =	vand.u32 v6, v1;
	v6 =	vld [tilespmem:s8+$0x110]  }
0x34: {  	v1 =	vand.u32 v2, v1;
	v2 =	vld [tilespmem:s8+$0x190]  }
0x35: {  	v1 =	vand.u32 v3, v1;
	v3 =	vld [tilespmem:s8+$0x210]  }
0x36: {  	v1 =	vand.u32 v4, v1;
	v4 =	vld [tilespmem:s8+$0x290]  }
0x37: {  	v1 =	vand.u32 v5, v1;
	v5 =	vld [tilespmem:s8+$0x310]  }
0x38: {  	v1 =	vand.u32 v6, v1;
	v6 =	vld [tilespmem:s8+$0x390]  }
0x39: {  	v1 =	vand.u32 v2, v1  }
0x3a: {  	v1 =	vand.u32 v3, v1  }
0x3b: {  	v1 =	vand.u32 v4, v1  }
0x3c: {  	v1 =	vand.u32 v5, v1  }
0x3d: {  	v1 =	vand.u32 v6, v1  }
0x3e: {  	vm10 =	vne.s32 v1, $0xFFFFFFFF  }
0x3f: {  	v1 =	vsel vm10, $0x3F800000, v0  }
0x40: {  	[tilespmem:s11+$0x8010] =	vst v1  }
0x41: {  	v1 =	vld [tilespmem:s8+$0xFFFFFC20]  }
0x42: {  	v2 =	vld [tilespmem:s8+$0xFFFFFCA0]  }
0x43: {  	v3 =	vld [tilespmem:s8+$0xFFFFFD20]  }
0x44: {  	v4 =	vld [tilespmem:s8+$0xFFFFFDA0]  }
0x45: {  	v5 =	vld [tilespmem:s8+$0xFFFFFE20]  }
0x46: {  	v6 =	vld [tilespmem:s8+$0xFFFFFEA0]  }
0x47: {  	v1 =	vand.u32 v1, v2;
	v2 =	vld [tilespmem:s8+$0xFFFFFF20]  }
0x48: {  	v1 =	vand.u32 v3, v1;
	v3 =	vld [tilespmem:s8+$0xFFFFFFA0]  }
0x49: {  	v1 =	vand.u32 v4, v1;
	v4 =	vld [tilespmem:s8+$0x20]  }
0x4a: {  	v1 =	vand.u32 v5, v1;
	v5 =	vld [tilespmem:s8+$0xA0]  }
0x4b: {  	v1 =	vand.u32 v6, v1;
	v6 =	vld [tilespmem:s8+$0x120]  }
0x4c: {  	v1 =	vand.u32 v2, v1;
	v2 =	vld [tilespmem:s8+$0x1A0]  }
0x4d: {  	v1 =	vand.u32 v3, v1;
	v3 =	vld [tilespmem:s8+$0x220]  }
0x4e: {  	v1 =	vand.u32 v4, v1;
	v4 =	vld [tilespmem:s8+$0x2A0]  }
0x4f: {  	v1 =	vand.u32 v5, v1;
	v5 =	vld [tilespmem:s8+$0x320]  }
0x50: {  	v1 =	vand.u32 v6, v1;
	v6 =	vld [tilespmem:s8+$0x3A0]  }
0x51: {  	v1 =	vand.u32 v2, v1  }
0x52: {  	v1 =	vand.u32 v3, v1  }
0x53: {  	v1 =	vand.u32 v4, v1  }
0x54: {  	v1 =	vand.u32 v5, v1  }
0x55: {  	v1 =	vand.u32 v6, v1  }
0x56: {  	vm11 =	vne.s32 v1, $0xFFFFFFFF  }
0x57: {  	v1 =	vsel vm11, $0x3F800000, v0  }
0x58: {  	[tilespmem:s11+$0x8020] =	vst v1  }
0x59: {  	v1 =	vld [tilespmem:s8+$0xFFFFFCB0]  }
0x5a: {  	v2 =	vld [tilespmem:s8+$0xFFFFFC30]  }
0x5b: {  	v3 =	vld [tilespmem:s8+$0xFFFFFD30]  }
0x5c: {  	v4 =	vld [tilespmem:s8+$0xFFFFFDB0]  }
0x5d: {  	v5 =	vld [tilespmem:s8+$0xFFFFFE30]  }
0x5e: {  	v6 =	vld [tilespmem:s8+$0xFFFFFEB0]  }
0x5f: {  	v1 =	vand.u32 v2, v1;
	v2 =	vld [tilespmem:s8+$0xFFFFFF30]  }
0x60: {  	v1 =	vand.u32 v3, v1;
	v3 =	vld [tilespmem:s8+$0xFFFFFFB0]  }
0x61: {  	v1 =	vand.u32 v4, v1;
	v4 =	vld [tilespmem:s8+$0x30]  }
0x62: {  	v1 =	vand.u32 v5, v1;
	v5 =	vld [tilespmem:s8+$0xB0]  }
0x63: {  	v1 =	vand.u32 v6, v1;
	v6 =	vld [tilespmem:s8+$0x130]  }
0x64: {  	v1 =	vand.u32 v2, v1;
	v2 =	vld [tilespmem:s8+$0x1B0]  }
0x65: {  	v1 =	vand.u32 v3, v1;
	v3 =	vld [tilespmem:s8+$0x230]  }
0x66: {  	v1 =	vand.u32 v4, v1;
	v4 =	vld [tilespmem:s8+$0x2B0]  }
0x67: {  	v1 =	vand.u32 v5, v1;
	v5 =	vld [tilespmem:s8+$0x330]  }
0x68: {  	v1 =	vand.u32 v6, v1;
	v6 =	vld [tilespmem:s8+$0x3B0]  }
0x69: {  	v1 =	vand.u32 v2, v1  }
0x6a: {  	v1 =	vand.u32 v3, v1  }
0x6b: {  	v1 =	vand.u32 v4, v1  }
0x6c: {  	v1 =	vand.u32 v5, v1  }
0x6d: {  	v1 =	vand.u32 v6, v1  }
0x6e: {  	vm12 =	vne.s32 v1, $0xFFFFFFFF  }
0x6f: {  	v1 =	vsel vm12, $0x3F800000, v0  }
0x70: {  	[tilespmem:s11+$0x8030] =	vst v1  }
0x71: {  	v1 =	vld [tilespmem:s8+$0xFFFFFC40]  }
0x72: {  	v2 =	vld [tilespmem:s8+$0xFFFFFCC0]  }
0x73: {  	v3 =	vld [tilespmem:s8+$0xFFFFFD40]  }
0x74: {  	v4 =	vld [tilespmem:s8+$0xFFFFFDC0]  }
0x75: {  	v5 =	vld [tilespmem:s8+$0xFFFFFE40]  }
0x76: {  	v6 =	vld [tilespmem:s8+$0xFFFFFEC0]  }
0x77: {  	v1 =	vand.u32 v1, v2;
	v2 =	vld [tilespmem:s8+$0xFFFFFF40]  }
0x78: {  	v1 =	vand.u32 v3, v1;
	v3 =	vld [tilespmem:s8+$0xFFFFFFC0]  }
0x79: {  	v1 =	vand.u32 v4, v1;
	v4 =	vld [tilespmem:s8+$0x40]  }
0x7a: {  	v1 =	vand.u32 v5, v1;
	v5 =	vld [tilespmem:s8+$0xC0]  }
0x7b: {  	v1 =	vand.u32 v6, v1;
	v6 =	vld [tilespmem:s8+$0x140]  }
0x7c: {  	v1 =	vand.u32 v2, v1;
	v2 =	vld [tilespmem:s8+$0x1C0]  }
0x7d: {  	v1 =	vand.u32 v3, v1;
	v3 =	vld [tilespmem:s8+$0x240]  }
0x7e: {  	v1 =	vand.u32 v4, v1;
	v4 =	vld [tilespmem:s8+$0x2C0]  }
0x7f: {  	v1 =	vand.u32 v5, v1;
	v5 =	vld [tilespmem:s8+$0x340]  }
0x80: {  	v1 =	vand.u32 v6, v1;
	v6 =	vld [tilespmem:s8+$0x3C0]  }
0x81: {  	v1 =	vand.u32 v2, v1  }
0x82: {  	v1 =	vand.u32 v3, v1  }
0x83: {  	v1 =	vand.u32 v4, v1  }
0x84: {  	v1 =	vand.u32 v5, v1  }
0x85: {  	v1 =	vand.u32 v6, v1  }
0x86: {  	vm13 =	vne.s32 v1, $0xFFFFFFFF  }
0x87: {  	v1 =	vsel vm13, $0x3F800000, v0  }
0x88: {  	[tilespmem:s11+$0x8040] =	vst v1  }
0x89: {  	v1 =	vld [tilespmem:s8+$0xFFFFFC50]  }
0x8a: {  	v2 =	vld [tilespmem:s8+$0xFFFFFCD0]  }
0x8b: {  	v3 =	vld [tilespmem:s8+$0xFFFFFD50]  }
0x8c: {  	v4 =	vld [tilespmem:s8+$0xFFFFFDD0]  }
0x8d: {  	v5 =	vld [tilespmem:s8+$0xFFFFFE50]  }
0x8e: {  	v6 =	vld [tilespmem:s8+$0xFFFFFED0]  }
0x8f: {  	v1 =	vand.u32 v1, v2;
	v2 =	vld [tilespmem:s8+$0xFFFFFF50]  }
0x90: {  	v1 =	vand.u32 v3, v1;
	v3 =	vld [tilespmem:s8+$0xFFFFFFD0]  }
0x91: {  	v1 =	vand.u32 v4, v1;
	v4 =	vld [tilespmem:s8+$0x50]  }
0x92: {  	v1 =	vand.u32 v5, v1;
	v5 =	vld [tilespmem:s8+$0xD0]  }
0x93: {  	v1 =	vand.u32 v6, v1;
	v6 =	vld [tilespmem:s8+$0x150]  }
0x94: {  	v1 =	vand.u32 v2, v1;
	v2 =	vld [tilespmem:s8+$0x1D0]  }
0x95: {  	v1 =	vand.u32 v3, v1;
	v3 =	vld [tilespmem:s8+$0x250]  }
0x96: {  	v1 =	vand.u32 v4, v1;
	v4 =	vld [tilespmem:s8+$0x2D0]  }
0x97: {  	v1 =	vand.u32 v5, v1;
	v5 =	vld [tilespmem:s8+$0x350]  }
0x98: {  	v1 =	vand.u32 v6, v1;
	v6 =	vld [tilespmem:s8+$0x3D0]  }
0x99: {  	v1 =	vand.u32 v2, v1  }
0x9a: {  	v1 =	vand.u32 v3, v1  }
0x9b: {  	v1 =	vand.u32 v4, v1  }
0x9c: {  	v1 =	vand.u32 v5, v1  }
0x9d: {  	v1 =	vand.u32 v6, v1  }
0x9e: {  	vm14 =	vne.s32 v1, $0xFFFFFFFF  }
0x9f: {  	v1 =	vsel vm14, $0x3F800000, v0  }
0xa0: {  	[tilespmem:s11+$0x8050] =	vst v1  }
0xa1: {  	v1 =	vld [tilespmem:s8+$0xFFFFFC60]  }
0xa2: {  	v2 =	vld [tilespmem:s8+$0xFFFFFCE0]  }
0xa3: {  	v3 =	vld [tilespmem:s8+$0xFFFFFD60]  }
0xa4: {  	v4 =	vld [tilespmem:s8+$0xFFFFFDE0]  }
0xa5: {  	v5 =	vld [tilespmem:s8+$0xFFFFFE60]  }
0xa6: {  	v6 =	vld [tilespmem:s8+$0xFFFFFEE0]  }
0xa7: {  	v1 =	vand.u32 v1, v2;
	v2 =	vld [tilespmem:s8+$0xFFFFFF60]  }
0xa8: {  	v1 =	vand.u32 v3, v1;
	v3 =	vld [tilespmem:s8+$0xFFFFFFE0]  }
0xa9: {  	v1 =	vand.u32 v4, v1;
	v4 =	vld [tilespmem:s8+$0x60]  }
0xaa: {  	v1 =	vand.u32 v5, v1;
	v5 =	vld [tilespmem:s8+$0xE0]  }
0xab: {  	v1 =	vand.u32 v6, v1;
	v6 =	vld [tilespmem:s8+$0x160]  }
0xac: {  	v1 =	vand.u32 v2, v1;
	v2 =	vld [tilespmem:s8+$0x1E0]  }
0xad: {  	v1 =	vand.u32 v3, v1;
	v3 =	vld [tilespmem:s8+$0x260]  }
0xae: {  	v1 =	vand.u32 v4, v1;
	v4 =	vld [tilespmem:s8+$0x2E0]  }
0xaf: {  	v1 =	vand.u32 v5, v1;
	v5 =	vld [tilespmem:s8+$0x360]  }
0xb0: {  	v1 =	vand.u32 v6, v1;
	v6 =	vld [tilespmem:s8+$0x3E0]  }
0xb1: {  	v1 =	vand.u32 v2, v1  }
0xb2: {  	v1 =	vand.u32 v3, v1  }
0xb3: {  	v1 =	vand.u32 v4, v1  }
0xb4: {  	v1 =	vand.u32 v5, v1  }
0xb5: {  	v1 =	vand.u32 v6, v1  }
0xb6: {  	vm15 =	vne.s32 v1, $0xFFFFFFFF  }
0xb7: {  	v1 =	vsel vm15, $0x3F800000, v0  }
0xb8: {  	[tilespmem:s11+$0x8060] =	vst v1  }
0xb9: {  	v1 =	vld [tilespmem:s8+$0xFFFFFC70]  }
0xba: {  	v2 =	vld [tilespmem:s8+$0xFFFFFCF0]  }
0xbb: {  	v3 =	vld [tilespmem:s8+$0xFFFFFD70]  }
0xbc: {  	v4 =	vld [tilespmem:s8+$0xFFFFFDF0]  }
0xbd: {  	v6 =	vld [tilespmem:s8+$0xFFFFFE70]  }
0xbe: {  	v5 =	vld [tilespmem:s8+$0xFFFFFEF0]  }
0xbf: {  	v2 =	vand.u32 v1, v2;
	v1 =	vld [tilespmem:s8+$0xFFFFFF70]  }
0xc0: {  	v3 =	vand.u32 v3, v2;
	v2 =	vld [tilespmem:s8+$0xFFFFFFF0]  }
0xc1: {  	v4 =	vand.u32 v4, v3;
	v3 =	vld [tilespmem:s8+$0x70]  }
0xc2: {  	s13 =	simm.s32 $0x200;
	s12 =	simm.s32 $0x400;
	s14 =	simm.s32 $0x400;
	v6 =	vand.u32 v6, v4;
	v4 =	vld [tilespmem:s8+$0xF0]  }
.LBB2_2:
0xc3: {  	p0 =	sne.s32 s13, $0x1E00  }
0xc4: {  	v5 =	vand.u32 v5, v6;
	v6 =	vld [tilespmem:s12+$0x170];
	s14 =	sadd.s32 $0x800, s14;
	s15 =	smov.u32 s13;
	s13 =	sadd.s32 $0x200, s13  }
0xc5: {  	v1 =	vand.u32 v1, v5;
	v5 =	vld [tilespmem:s12+$0x1F0]  }
0xc6: {  	v1 =	vand.u32 v2, v1;
	v2 =	vld [tilespmem:s12+$0x270]  }
0xc7: {  	v1 =	vand.u32 v3, v1;
	v3 =	vld [tilespmem:s12+$0x2F0]  }
0xc8: {  	v1 =	vand.u32 v4, v1;
	v4 =	vld [tilespmem:s12+$0x370]  }
0xc9: {  	v1 =	vand.u32 v6, v1;
	v6 =	vld [tilespmem:s12+$0x3F0];
	s12 =	smov.u32 s14  }
0xca: {  	v1 =	vand.u32 v5, v1  }
0xcb: {  	v1 =	vand.u32 v2, v1  }
0xcc: {  	v1 =	vand.u32 v3, v1  }
0xcd: {  	v1 =	vand.u32 v4, v1  }
0xce: {  	v1 =	vand.u32 v6, v1  }
0xcf: {  	vm0 =	vne.s32 v1, $0xFFFFFFFF  }
0xd0: {  	v1 =	vsel vm0, $0x3F800000, v0  }
0xd1: {  	[tilespmem:s11+$0x8070] =	vst v1  }
0xd2: {  	v1 =	vld [tilespmem:s14+$0xFFFFFC80]  }
0xd3: {  	v2 =	vld [tilespmem:s14+$0xFFFFFC00]  }
0xd4: {  	v3 =	vld [tilespmem:s14+$0xFFFFFD00]  }
0xd5: {  	v4 =	vld [tilespmem:s14+$0xFFFFFD80]  }
0xd6: {  	v5 =	vld [tilespmem:s14+$0xFFFFFE00]  }
0xd7: {  	v6 =	vld [tilespmem:s14+$0xFFFFFE80]  }
0xd8: {  	v1 =	vand.u32 v2, v1;
	v2 =	vld [tilespmem:s14+$0xFFFFFF00]  }
0xd9: {  	v1 =	vand.u32 v3, v1;
	v3 =	vld [tilespmem:s14+$0xFFFFFF80]  }
0xda: {  	v1 =	vand.u32 v4, v1;
	v4 =	vld [tilespmem:s14+$0x0]  }
0xdb: {  	v1 =	vand.u32 v5, v1;
	v5 =	vld [tilespmem:s14+$0x80]  }
0xdc: {  	v1 =	vand.u32 v6, v1;
	v6 =	vld [tilespmem:s14+$0x100]  }
0xdd: {  	v1 =	vand.u32 v2, v1;
	v2 =	vld [tilespmem:s14+$0x180]  }
0xde: {  	v1 =	vand.u32 v3, v1;
	v3 =	vld [tilespmem:s14+$0x200]  }
0xdf: {  	v1 =	vand.u32 v4, v1;
	v4 =	vld [tilespmem:s14+$0x280]  }
0xe0: {  	v1 =	vand.u32 v5, v1;
	v5 =	vld [tilespmem:s14+$0x300]  }
0xe1: {  	v1 =	vand.u32 v6, v1;
	v6 =	vld [tilespmem:s14+$0x380]  }
0xe2: {  	v1 =	vand.u32 v2, v1  }
0xe3: {  	v1 =	vand.u32 v3, v1  }
0xe4: {  	v1 =	vand.u32 v4, v1  }
0xe5: {  	v1 =	vand.u32 v5, v1  }
0xe6: {  	v1 =	vand.u32 v6, v1  }
0xe7: {  	vm0 =	vne.s32 v1, $0xFFFFFFFF  }
0xe8: {  	s11 =	sshra.s32 s15, $0x2;
	v1 =	vsel vm0, $0x3F800000, v0  }
0xe9: {  	[tilespmem:s11+$0x8000] =	vst v1  }
0xea: {  	v1 =	vld [tilespmem:s14+$0xFFFFFC10]  }
0xeb: {  	v2 =	vld [tilespmem:s14+$0xFFFFFC90]  }
0xec: {  	v3 =	vld [tilespmem:s14+$0xFFFFFD10]  }
0xed: {  	v4 =	vld [tilespmem:s14+$0xFFFFFD90]  }
0xee: {  	v5 =	vld [tilespmem:s14+$0xFFFFFE10]  }
0xef: {  	v6 =	vld [tilespmem:s14+$0xFFFFFE90]  }
0xf0: {  	v1 =	vand.u32 v1, v2;
	v2 =	vld [tilespmem:s14+$0xFFFFFF10]  }
0xf1: {  	v1 =	vand.u32 v3, v1;
	v3 =	vld [tilespmem:s14+$0xFFFFFF90]  }
0xf2: {  	v1 =	vand.u32 v4, v1;
	v4 =	vld [tilespmem:s14+$0x10]  }
0xf3: {  	v1 =	vand.u32 v5, v1;
	v5 =	vld [tilespmem:s14+$0x90]  }
0xf4: {  	v1 =	vand.u32 v6, v1;
	v6 =	vld [tilespmem:s14+$0x110]  }
0xf5: {  	v1 =	vand.u32 v2, v1;
	v2 =	vld [tilespmem:s14+$0x190]  }
0xf6: {  	v1 =	vand.u32 v3, v1;
	v3 =	vld [tilespmem:s14+$0x210]  }
0xf7: {  	v1 =	vand.u32 v4, v1;
	v4 =	vld [tilespmem:s14+$0x290]  }
0xf8: {  	v1 =	vand.u32 v5, v1;
	v5 =	vld [tilespmem:s14+$0x310]  }
0xf9: {  	v1 =	vand.u32 v6, v1;
	v6 =	vld [tilespmem:s14+$0x390]  }
0xfa: {  	v1 =	vand.u32 v2, v1  }
0xfb: {  	v1 =	vand.u32 v3, v1  }
0xfc: {  	v1 =	vand.u32 v4, v1  }
0xfd: {  	v1 =	vand.u32 v5, v1  }
0xfe: {  	v1 =	vand.u32 v6, v1  }
0xff: {  	vm0 =	vne.s32 v1, $0xFFFFFFFF  }
0x100: {  	v1 =	vsel vm0, $0x3F800000, v0  }
0x101: {  	[tilespmem:s11+$0x8010] =	vst v1  }
0x102: {  	v1 =	vld [tilespmem:s14+$0xFFFFFC20]  }
0x103: {  	v2 =	vld [tilespmem:s14+$0xFFFFFCA0]  }
0x104: {  	v3 =	vld [tilespmem:s14+$0xFFFFFD20]  }
0x105: {  	v4 =	vld [tilespmem:s14+$0xFFFFFDA0]  }
0x106: {  	v5 =	vld [tilespmem:s14+$0xFFFFFE20]  }
0x107: {  	v6 =	vld [tilespmem:s14+$0xFFFFFEA0]  }
0x108: {  	v1 =	vand.u32 v1, v2;
	v2 =	vld [tilespmem:s14+$0xFFFFFF20]  }
0x109: {  	v1 =	vand.u32 v3, v1;
	v3 =	vld [tilespmem:s14+$0xFFFFFFA0]  }
0x10a: {  	v1 =	vand.u32 v4, v1;
	v4 =	vld [tilespmem:s14+$0x20]  }
0x10b: {  	v1 =	vand.u32 v5, v1;
	v5 =	vld [tilespmem:s14+$0xA0]  }
0x10c: {  	v1 =	vand.u32 v6, v1;
	v6 =	vld [tilespmem:s14+$0x120]  }
0x10d: {  	v1 =	vand.u32 v2, v1;
	v2 =	vld [tilespmem:s14+$0x1A0]  }
0x10e: {  	v1 =	vand.u32 v3, v1;
	v3 =	vld [tilespmem:s14+$0x220]  }
0x10f: {  	v1 =	vand.u32 v4, v1;
	v4 =	vld [tilespmem:s14+$0x2A0]  }
0x110: {  	v1 =	vand.u32 v5, v1;
	v5 =	vld [tilespmem:s14+$0x320]  }
0x111: {  	v1 =	vand.u32 v6, v1;
	v6 =	vld [tilespmem:s14+$0x3A0]  }
0x112: {  	v1 =	vand.u32 v2, v1  }
0x113: {  	v1 =	vand.u32 v3, v1  }
0x114: {  	v1 =	vand.u32 v4, v1  }
0x115: {  	v1 =	vand.u32 v5, v1  }
0x116: {  	v1 =	vand.u32 v6, v1  }
0x117: {  	vm0 =	vne.s32 v1, $0xFFFFFFFF  }
0x118: {  	v1 =	vsel vm0, $0x3F800000, v0  }
0x119: {  	[tilespmem:s11+$0x8020] =	vst v1  }
0x11a: {  	v1 =	vld [tilespmem:s14+$0xFFFFFCB0]  }
0x11b: {  	v2 =	vld [tilespmem:s14+$0xFFFFFC30]  }
0x11c: {  	v3 =	vld [tilespmem:s14+$0xFFFFFD30]  }
0x11d: {  	v4 =	vld [tilespmem:s14+$0xFFFFFDB0]  }
0x11e: {  	v5 =	vld [tilespmem:s14+$0xFFFFFE30]  }
0x11f: {  	v6 =	vld [tilespmem:s14+$0xFFFFFEB0]  }
0x120: {  	v1 =	vand.u32 v2, v1;
	v2 =	vld [tilespmem:s14+$0xFFFFFF30]  }
0x121: {  	v1 =	vand.u32 v3, v1;
	v3 =	vld [tilespmem:s14+$0xFFFFFFB0]  }
0x122: {  	v1 =	vand.u32 v4, v1;
	v4 =	vld [tilespmem:s14+$0x30]  }
0x123: {  	v1 =	vand.u32 v5, v1;
	v5 =	vld [tilespmem:s14+$0xB0]  }
0x124: {  	v1 =	vand.u32 v6, v1;
	v6 =	vld [tilespmem:s14+$0x130]  }
0x125: {  	v1 =	vand.u32 v2, v1;
	v2 =	vld [tilespmem:s14+$0x1B0]  }
0x126: {  	v1 =	vand.u32 v3, v1;
	v3 =	vld [tilespmem:s14+$0x230]  }
0x127: {  	v1 =	vand.u32 v4, v1;
	v4 =	vld [tilespmem:s14+$0x2B0]  }
0x128: {  	v1 =	vand.u32 v5, v1;
	v5 =	vld [tilespmem:s14+$0x330]  }
0x129: {  	v1 =	vand.u32 v6, v1;
	v6 =	vld [tilespmem:s14+$0x3B0]  }
0x12a: {  	v1 =	vand.u32 v2, v1  }
0x12b: {  	v1 =	vand.u32 v3, v1  }
0x12c: {  	v1 =	vand.u32 v4, v1  }
0x12d: {  	v1 =	vand.u32 v5, v1  }
0x12e: {  	v1 =	vand.u32 v6, v1  }
0x12f: {  	vm0 =	vne.s32 v1, $0xFFFFFFFF  }
0x130: {  	v1 =	vsel vm0, $0x3F800000, v0  }
0x131: {  	[tilespmem:s11+$0x8030] =	vst v1  }
0x132: {  	v1 =	vld [tilespmem:s14+$0xFFFFFC40]  }
0x133: {  	v2 =	vld [tilespmem:s14+$0xFFFFFCC0]  }
0x134: {  	v3 =	vld [tilespmem:s14+$0xFFFFFD40]  }
0x135: {  	v4 =	vld [tilespmem:s14+$0xFFFFFDC0]  }
0x136: {  	v5 =	vld [tilespmem:s14+$0xFFFFFE40]  }
0x137: {  	v6 =	vld [tilespmem:s14+$0xFFFFFEC0]  }
0x138: {  	v1 =	vand.u32 v1, v2;
	v2 =	vld [tilespmem:s14+$0xFFFFFF40]  }
0x139: {  	v1 =	vand.u32 v3, v1;
	v3 =	vld [tilespmem:s14+$0xFFFFFFC0]  }
0x13a: {  	v1 =	vand.u32 v4, v1;
	v4 =	vld [tilespmem:s14+$0x40]  }
0x13b: {  	v1 =	vand.u32 v5, v1;
	v5 =	vld [tilespmem:s14+$0xC0]  }
0x13c: {  	v1 =	vand.u32 v6, v1;
	v6 =	vld [tilespmem:s14+$0x140]  }
0x13d: {  	v1 =	vand.u32 v2, v1;
	v2 =	vld [tilespmem:s14+$0x1C0]  }
0x13e: {  	v1 =	vand.u32 v3, v1;
	v3 =	vld [tilespmem:s14+$0x240]  }
0x13f: {  	v1 =	vand.u32 v4, v1;
	v4 =	vld [tilespmem:s14+$0x2C0]  }
0x140: {  	v1 =	vand.u32 v5, v1;
	v5 =	vld [tilespmem:s14+$0x340]  }
0x141: {  	v1 =	vand.u32 v6, v1;
	v6 =	vld [tilespmem:s14+$0x3C0]  }
0x142: {  	v1 =	vand.u32 v2, v1  }
0x143: {  	v1 =	vand.u32 v3, v1  }
0x144: {  	v1 =	vand.u32 v4, v1  }
0x145: {  	v1 =	vand.u32 v5, v1  }
0x146: {  	v1 =	vand.u32 v6, v1  }
0x147: {  	vm0 =	vne.s32 v1, $0xFFFFFFFF  }
0x148: {  	v1 =	vsel vm0, $0x3F800000, v0  }
0x149: {  	[tilespmem:s11+$0x8040] =	vst v1  }
0x14a: {  	v1 =	vld [tilespmem:s14+$0xFFFFFC50]  }
0x14b: {  	v2 =	vld [tilespmem:s14+$0xFFFFFCD0]  }
0x14c: {  	v3 =	vld [tilespmem:s14+$0xFFFFFD50]  }
0x14d: {  	v4 =	vld [tilespmem:s14+$0xFFFFFDD0]  }
0x14e: {  	v5 =	vld [tilespmem:s14+$0xFFFFFE50]  }
0x14f: {  	v6 =	vld [tilespmem:s14+$0xFFFFFED0]  }
0x150: {  	v1 =	vand.u32 v1, v2;
	v2 =	vld [tilespmem:s14+$0xFFFFFF50]  }
0x151: {  	v1 =	vand.u32 v3, v1;
	v3 =	vld [tilespmem:s14+$0xFFFFFFD0]  }
0x152: {  	v1 =	vand.u32 v4, v1;
	v4 =	vld [tilespmem:s14+$0x50]  }
0x153: {  	v1 =	vand.u32 v5, v1;
	v5 =	vld [tilespmem:s14+$0xD0]  }
0x154: {  	v1 =	vand.u32 v6, v1;
	v6 =	vld [tilespmem:s14+$0x150]  }
0x155: {  	v1 =	vand.u32 v2, v1;
	v2 =	vld [tilespmem:s14+$0x1D0]  }
0x156: {  	v1 =	vand.u32 v3, v1;
	v3 =	vld [tilespmem:s14+$0x250]  }
0x157: {  	v1 =	vand.u32 v4, v1;
	v4 =	vld [tilespmem:s14+$0x2D0]  }
0x158: {  	v1 =	vand.u32 v5, v1;
	v5 =	vld [tilespmem:s14+$0x350]  }
0x159: {  	v1 =	vand.u32 v6, v1;
	v6 =	vld [tilespmem:s14+$0x3D0]  }
0x15a: {  	v1 =	vand.u32 v2, v1  }
0x15b: {  	v1 =	vand.u32 v3, v1  }
0x15c: {  	v1 =	vand.u32 v4, v1  }
0x15d: {  	v1 =	vand.u32 v5, v1  }
0x15e: {  	v1 =	vand.u32 v6, v1  }
0x15f: {  	vm0 =	vne.s32 v1, $0xFFFFFFFF  }
0x160: {  	v1 =	vsel vm0, $0x3F800000, v0  }
0x161: {  	[tilespmem:s11+$0x8050] =	vst v1  }
0x162: {  	v1 =	vld [tilespmem:s14+$0xFFFFFC60]  }
0x163: {  	v2 =	vld [tilespmem:s14+$0xFFFFFCE0]  }
0x164: {  	v3 =	vld [tilespmem:s14+$0xFFFFFD60]  }
0x165: {  	v4 =	vld [tilespmem:s14+$0xFFFFFDE0]  }
0x166: {  	v5 =	vld [tilespmem:s14+$0xFFFFFE60]  }
0x167: {  	v6 =	vld [tilespmem:s14+$0xFFFFFEE0]  }
0x168: {  	v1 =	vand.u32 v1, v2;
	v2 =	vld [tilespmem:s14+$0xFFFFFF60]  }
0x169: {  	v1 =	vand.u32 v3, v1;
	v3 =	vld [tilespmem:s14+$0xFFFFFFE0]  }
0x16a: {  	v1 =	vand.u32 v4, v1;
	v4 =	vld [tilespmem:s14+$0x60]  }
0x16b: {  	v1 =	vand.u32 v5, v1;
	v5 =	vld [tilespmem:s14+$0xE0]  }
0x16c: {  	v1 =	vand.u32 v6, v1;
	v6 =	vld [tilespmem:s14+$0x160]  }
0x16d: {  	v1 =	vand.u32 v2, v1;
	v2 =	vld [tilespmem:s14+$0x1E0]  }
0x16e: {  	v1 =	vand.u32 v3, v1;
	v3 =	vld [tilespmem:s14+$0x260]  }
0x16f: {  	v1 =	vand.u32 v4, v1;
	v4 =	vld [tilespmem:s14+$0x2E0]  }
0x170: {  	v1 =	vand.u32 v5, v1;
	v5 =	vld [tilespmem:s14+$0x360]  }
0x171: {  	v1 =	vand.u32 v6, v1;
	v6 =	vld [tilespmem:s14+$0x3E0]  }
0x172: {  	v1 =	vand.u32 v2, v1  }
0x173: {  	v1 =	vand.u32 v3, v1  }
0x174: {  	v1 =	vand.u32 v4, v1  }
0x175: {  	v1 =	vand.u32 v5, v1  }
0x176: {  	v1 =	vand.u32 v6, v1  }
0x177: {  	vm0 =	vne.s32 v1, $0xFFFFFFFF  }
0x178: {  	v1 =	vsel vm0, $0x3F800000, v0  }
0x179: {  	[tilespmem:s11+$0x8060] =	vst v1  }
0x17a: {  	v1 =	vld [tilespmem:s14+$0xFFFFFC70]  }
0x17b: {  	v2 =	vld [tilespmem:s14+$0xFFFFFCF0]  }
0x17c: {  	v3 =	vld [tilespmem:s14+$0xFFFFFD70]  }
0x17d: {  	v4 =	vld [tilespmem:s14+$0xFFFFFDF0]  }
0x17e: {  	v6 =	vld [tilespmem:s14+$0xFFFFFE70]  }
.Ltmp0:
0x17f: {  	v5 =	vld [tilespmem:s14+$0xFFFFFEF0];
	(pc) =	sbr.rel @p0 .LBB2_2-.Ltmp0, $4  }
0x180: {  	v2 =	vand.u32 v1, v2;
	v1 =	vld [tilespmem:s14+$0xFFFFFF70]  }
0x181: {  	v3 =	vand.u32 v3, v2;
	v2 =	vld [tilespmem:s14+$0xFFFFFFF0]  }
0x182: {  	v4 =	vand.u32 v4, v3;
	v3 =	vld [tilespmem:s14+$0x70]  }
0x183: {  	v6 =	vand.u32 v6, v4;
	v4 =	vld [tilespmem:s14+$0xF0]  }
0x184: {  	v5 =	vand.u32 v5, v6;
	v60 =	vld [tilespmem:s12+$0x170]  }
0x185: {  	v61 =	vld [tilespmem:s12+$0x1F0];
	v1 =	vand.u32 v1, v5  }
0x186: {  	v1 =	vand.u32 v2, v1;
	v2 =	vld [tilespmem:s12+$0x270]  }
0x187: {  	v1 =	vand.u32 v3, v1;
	v3 =	vld [tilespmem:s12+$0x2F0]  }
0x188: {  	v62 =	vld [tilespmem:s12+$0x370];
	v1 =	vand.u32 v4, v1  }
0x189: {  	v63 =	vld [tilespmem:s12+$0x3F0];
	v1 =	vand.u32 v60, v1  }
0x18a: {  	v1 =	vand.u32 v61, v1  }
0x18b: {  	v1 =	vand.u32 v2, v1  }
0x18c: {  	v1 =	vand.u32 v3, v1  }
0x18d: {  	v1 =	vand.u32 v62, v1  }
0x18e: {  	v1 =	vand.u32 v63, v1  }
0x18f: {  	s10 =	sadd.s32 $0x1, s10;
	vm0 =	vne.s32 v1, $0xFFFFFFFF  }
0x190: {  	p0 =	sne.s32 s10, s5;
	v1 =	vsel vm0, $0x3F800000, v0  }
.Ltmp1:
0x191: {  	[tilespmem:s11+$0x8070] =	vst v1;
	(pc) =	sbr.rel @p0 .LBB2_1-.Ltmp1, $4  }
0x192: {  	[hbm4b:s4+s8] =	stream.strided.scatter [tilespmem:s9], [sflag:$0x1], $0x800, s6, s8, $0x38;
	[tilespmem:$0x8800] =	vst v63  }
0x193: {  	_ =	swait.ge [sflag:s7], $0x800  }
0x194: {  	[sflag:s7] =	ssyncset.done $0x0  }
0x195: {  	[sflag:s7] =	ssyncadd.s32 $0xFFFFF800  }
0x196: {  	_ =	sfence.sel $0x180000  }
0x197: {  	[bflag:$0x0] =	sbarrier.arrive $0xFFFF  }
0x198: {  	p0 =	sne.s32 s1, $0x0;
	_ =	strace $0x90000047  }
0x199: {  	s0 =	sadd.s32 @!p0 $0x100000, s0;
	[bflag:$0x2] =	sbarrier.arrive $0xFFFF  }
0x19a: {  	[sflag:s0] =	ssyncadd.tile.s32 @!p0 $0x1;
	_ =	shalt  }
.Lfunc_end2:
_tile_overlayer_lowered:
.L_overlay_start_2:
0x19b: {  	(tag) =	ssettag $0x2  }
0x19c: {  	s0 =	rddreg [dreg:$0x0];
	s2 =	stileid.u32  }
0x19d: {  	s1 =	rddreg [dreg:$0x1];
	p0 =	sne.s32 s2, $0x0  }
0x19e: {  	s3 =	rddreg [dreg:$0x2];
	[bflag:$0x3] =	sbarrier.arrive $0xFFFF;
	s2 =	simm.s32 @!p0 $0x1C01  }
0x19f: {  	[timem:s3], [sflag:s2] =	dma.local @!p0 [hbm:s0], s1  }
0x1a0: {  	s0 =	simm.s32 @!p0 $0x1  }
0x1a1: {  	_ =	swait.ge @!p0 [sflag:s0], s1  }
0x1a2: {  	s1 =	ssub.s32 @!p0 $0x0, s1;
	[sflag:s0] =	ssyncset.done @!p0 $0x0  }
0x1a3: {  	[sflag:s0] =	ssyncadd.s32 @!p0 s1  }
0x1a4: {  	[bflag:$0x3] =	sbarrier.arrive $0xFFFF  }
0x1a5: {  	_ =	shalt  }

</sc_bundles>
